<compile_context>
chip_gen: v7x
topology: tpu7x:2x2x1
jax: 0.10.2.dev20260603
libtpu: 0.0.44.dev20260713+nightly
codegen_flags: <defaults>
</compile_context>

<pallas_src>
import functools

import jax
import jax.numpy as jnp
from jax import lax
from jax.experimental import pallas as pl
from jax.experimental.pallas import tpu as pltpu
from jax.experimental.pallas import tpu_sc as plsc

NUM_CORES = 2
NUM_SUBCORES = 16
LANES = 16
NW = NUM_CORES * NUM_SUBCORES

EMBED_DIM = 128
CHUNK = 64
NBUF = 4


def _sc_body(n_chunks, n_markers, bins_hbm, markers_hbm, bin_tab, mark_tab,
             out_hbm, bidx, midx, bbuf, mbuf, obuf, shared_mt, sem_ib, sem_im,
             sem_gb, sem_gm, sem_st):
    sid = lax.axis_index("s")
    wid = sid * NUM_CORES + lax.axis_index("c")
    per_w = n_chunks * CHUNK
    w_base = wid * per_w

    rows_even = (-(-n_markers // NUM_SUBCORES) + 7) // 8 * 8
    n_full, rows_last = divmod(n_markers, rows_even)

    @pl.when(sid < n_full)
    def _stage_full():
        s = pl.ds(sid * rows_even, rows_even)
        pltpu.sync_copy(mark_tab.at[s], shared_mt.at[s])

    if rows_last:
        @pl.when(sid == n_full)
        def _stage_tail():
            s = pl.ds(n_full * rows_even, rows_last)
            pltpu.sync_copy(mark_tab.at[s], shared_mt.at[s])

    plsc.subcore_barrier()

    def issue_idx(g, b):
        base = w_base + g * CHUNK
        pltpu.async_copy(bins_hbm.at[pl.ds(base, CHUNK)], bidx[b], sem_ib[b])
        pltpu.async_copy(markers_hbm.at[pl.ds(base, CHUNK)], midx[b], sem_im[b])

    def wait_idx(g, b):
        base = w_base + g * CHUNK
        pltpu.make_async_copy(bins_hbm.at[pl.ds(base, CHUNK)], bidx[b],
                              sem_ib[b]).wait()
        pltpu.make_async_copy(markers_hbm.at[pl.ds(base, CHUNK)], midx[b],
                              sem_im[b]).wait()

    def issue_gathers(b):
        pltpu.async_copy(bin_tab.at[bidx[b]], bbuf[b], sem_gb[b])
        pltpu.async_copy(shared_mt.at[midx[b]], mbuf[b], sem_gm[b])

    def wait_gathers(b):
        pltpu.make_async_copy(bin_tab.at[bidx[b]], bbuf[b], sem_gb[b]).wait()
        pltpu.make_async_copy(shared_mt.at[midx[b]], mbuf[b], sem_gm[b]).wait()

    def wait_store(g, b):
        base = w_base + g * CHUNK
        pltpu.make_async_copy(obuf[b], out_hbm.at[pl.ds(base, CHUNK)],
                              sem_st[b]).wait()

    for b in range(NBUF):
        issue_idx(b, b)
        wait_idx(b, b)
        issue_gathers(b)

    def outer(o, _):
        for b in range(NBUF):
            g = o * NBUF + b
            ng = g + NBUF
            wait_gathers(b)

            @pl.when(ng < n_chunks)
            def _prefetch_idx():
                issue_idx(ng, b)

            @pl.when(g >= NBUF)
            def _drain_old_store():
                wait_store(g - NBUF, b)

            def row_body(r, _):
                for j in range(EMBED_DIM // LANES):
                    s = pl.ds(j * LANES, LANES)
                    obuf[b][r, s] = bbuf[b][r, s] + mbuf[b][r, s]
                return 0

            lax.fori_loop(0, CHUNK, row_body, 0, unroll=False)

            st_base = w_base + g * CHUNK
            pltpu.async_copy(obuf[b], out_hbm.at[pl.ds(st_base, CHUNK)],
                             sem_st[b])

            @pl.when(ng < n_chunks)
            def _prefetch_gather():
                wait_idx(ng, b)
                issue_gathers(b)
        return 0

    lax.fori_loop(0, n_chunks // NBUF, outer, 0, unroll=False)

    for b in range(NBUF):
        wait_store(n_chunks - NBUF + b, b)


@jax.jit
def kernel(bins, markers, bin_table, marker_table):
    b, f = bins.shape
    total = b * f
    n_chunks = total // (NW * CHUNK)
    bins_flat = bins.T.reshape(total).astype(jnp.int32)
    markers_flat = markers.T.reshape(total).astype(jnp.int32)

    mesh = plsc.VectorSubcoreMesh(core_axis_name="c", subcore_axis_name="s")
    run = pl.kernel(
        functools.partial(_sc_body, n_chunks, marker_table.shape[0]),
        out_type=jax.ShapeDtypeStruct((total, EMBED_DIM), jnp.float32),
        mesh=mesh,
        scratch_types=[
            [pltpu.VMEM((CHUNK,), jnp.int32) for _ in range(NBUF)],
            [pltpu.VMEM((CHUNK,), jnp.int32) for _ in range(NBUF)],
            [pltpu.VMEM((CHUNK, EMBED_DIM), jnp.float32) for _ in range(NBUF)],
            [pltpu.VMEM((CHUNK, EMBED_DIM), jnp.float32) for _ in range(NBUF)],
            [pltpu.VMEM((CHUNK, EMBED_DIM), jnp.float32) for _ in range(NBUF)],
            pltpu.VMEM_SHARED((marker_table.shape[0], EMBED_DIM), jnp.float32),
            [pltpu.SemaphoreType.DMA for _ in range(NBUF)],
            [pltpu.SemaphoreType.DMA for _ in range(NBUF)],
            [pltpu.SemaphoreType.DMA for _ in range(NBUF)],
            [pltpu.SemaphoreType.DMA for _ in range(NBUF)],
            [pltpu.SemaphoreType.DMA for _ in range(NBUF)],
        ],
    )
    out = run(bins_flat, markers_flat, bin_table, marker_table)
    return out.reshape(f, b, bin_table.shape[1]).transpose(1, 0, 2)

# --- scband reference (transcript-rebuilt; emitter-appended) ---
"""Pipeline reference for scband-embed-layer-19963007992174 (READ-ONLY COPY).

The authoritative reference and input builder live on the scoring server;
editing this copy changes nothing except your own understanding.
"""

import jax, jax.numpy as jnp
import numpy as np

DIC_SIZE = 1000
NUM_EMBEDDINGS = 100000
EMBED_DIM = 128
BATCH = 4096
FIELDS = 100


def setup_inputs(seed: int = 0) -> dict:
    key = jax.random.key(seed)
    k1, k2, k3, k4 = jax.random.split(key, 4)
    bins = jax.random.randint(k1, (BATCH, FIELDS), 0, NUM_EMBEDDINGS, dtype=jnp.int64 if jax.config.jax_enable_x64 else jnp.int32)
    markers = jax.random.randint(k2, (BATCH, FIELDS), 0, DIC_SIZE, dtype=jnp.int64 if jax.config.jax_enable_x64 else jnp.int32)
    bin_table = jax.random.normal(k3, (NUM_EMBEDDINGS, EMBED_DIM), dtype=jnp.float32)
    marker_table = jax.random.normal(k4, (DIC_SIZE, EMBED_DIM), dtype=jnp.float32)
    return {"bins": bins, "markers": markers, "bin_table": bin_table, "marker_table": marker_table}


def reference(bins, markers, bin_table, marker_table):
    name_embeds = jnp.take(marker_table, markers, axis=0)
    value_embeds = jnp.take(bin_table, bins, axis=0)
    return name_embeds + value_embeds

if __name__ == "__main__":
    import jax
    _d = setup_inputs()
    print(jax.jit(kernel)(*tuple(_d.values())))

</pallas_src>

<mosaic_0001>
#map = affine_map<(d0, d1) -> (0)>
#map1 = affine_map<(d0, d1) -> (0, 0)>
module attributes {stable_mosaic.version = 14 : i64} {
  func.func @_sc_body(%arg0: i32, %arg1: i32, %arg2: memref<409600xi32, #tpu.memory_space<hbm>>, %arg3: memref<409600xi32, #tpu.memory_space<hbm>>, %arg4: memref<100000x128xf32, #tpu.memory_space<hbm>>, %arg5: memref<1000x128xf32, #tpu.memory_space<hbm>>, %arg6: memref<409600x128xf32, #tpu.memory_space<hbm>>, %arg7: memref<64xi32, #tpu.memory_space<vmem>>, %arg8: memref<64xi32, #tpu.memory_space<vmem>>, %arg9: memref<64xi32, #tpu.memory_space<vmem>>, %arg10: memref<64xi32, #tpu.memory_space<vmem>>, %arg11: memref<64xi32, #tpu.memory_space<vmem>>, %arg12: memref<64xi32, #tpu.memory_space<vmem>>, %arg13: memref<64xi32, #tpu.memory_space<vmem>>, %arg14: memref<64xi32, #tpu.memory_space<vmem>>, %arg15: memref<64x128xf32, #tpu.memory_space<vmem>>, %arg16: memref<64x128xf32, #tpu.memory_space<vmem>>, %arg17: memref<64x128xf32, #tpu.memory_space<vmem>>, %arg18: memref<64x128xf32, #tpu.memory_space<vmem>>, %arg19: memref<64x128xf32, #tpu.memory_space<vmem>>, %arg20: memref<64x128xf32, #tpu.memory_space<vmem>>, %arg21: memref<64x128xf32, #tpu.memory_space<vmem>>, %arg22: memref<64x128xf32, #tpu.memory_space<vmem>>, %arg23: memref<64x128xf32, #tpu.memory_space<vmem>>, %arg24: memref<64x128xf32, #tpu.memory_space<vmem>>, %arg25: memref<64x128xf32, #tpu.memory_space<vmem>>, %arg26: memref<64x128xf32, #tpu.memory_space<vmem>>, %arg27: memref<1000x128xf32, #tpu.memory_space<vmem_shared>>, %arg28: memref<!tpu.dma_semaphore, #tpu.memory_space<semaphore_mem>>, %arg29: memref<!tpu.dma_semaphore, #tpu.memory_space<semaphore_mem>>, %arg30: memref<!tpu.dma_semaphore, #tpu.memory_space<semaphore_mem>>, %arg31: memref<!tpu.dma_semaphore, #tpu.memory_space<semaphore_mem>>, %arg32: memref<!tpu.dma_semaphore, #tpu.memory_space<semaphore_mem>>, %arg33: memref<!tpu.dma_semaphore, #tpu.memory_space<semaphore_mem>>, %arg34: memref<!tpu.dma_semaphore, #tpu.memory_space<semaphore_mem>>, %arg35: memref<!tpu.dma_semaphore, #tpu.memory_space<semaphore_mem>>, %arg36: memref<!tpu.dma_semaphore, #tpu.memory_space<semaphore_mem>>, %arg37: memref<!tpu.dma_semaphore, #tpu.memory_space<semaphore_mem>>, %arg38: memref<!tpu.dma_semaphore, #tpu.memory_space<semaphore_mem>>, %arg39: memref<!tpu.dma_semaphore, #tpu.memory_space<semaphore_mem>>, %arg40: memref<!tpu.dma_semaphore, #tpu.memory_space<semaphore_mem>>, %arg41: memref<!tpu.dma_semaphore, #tpu.memory_space<semaphore_mem>>, %arg42: memref<!tpu.dma_semaphore, #tpu.memory_space<semaphore_mem>>, %arg43: memref<!tpu.dma_semaphore, #tpu.memory_space<semaphore_mem>>, %arg44: memref<!tpu.dma_semaphore, #tpu.memory_space<semaphore_mem>>, %arg45: memref<!tpu.dma_semaphore, #tpu.memory_space<semaphore_mem>>, %arg46: memref<!tpu.dma_semaphore, #tpu.memory_space<semaphore_mem>>, %arg47: memref<!tpu.dma_semaphore, #tpu.memory_space<semaphore_mem>>) attributes {dimension_semantics = [#tpu.dimension_semantics<core_parallel>, #tpu.dimension_semantics<subcore_parallel>], iteration_bounds = array<i64: 2, 16>, scalar_prefetch = 0 : i64, scratch_operands = 41 : i64, tpu.core_type = #tpu.core_type<sc_vector_subcore>, window_params = [{transform_indices = #map}, {transform_indices = #map}, {transform_indices = #map1}, {transform_indices = #map1}, {transform_indices = #map1}]} {
    %mul3A = arith.constant 2 : i32
    %mul3A_0 = arith.muli %arg1, %mul3A : i32
    %add3A = arith.addi %mul3A_0, %arg0 : i32
    %mul3A_1 = arith.constant 12800 : i32
    %mul3A_2 = arith.muli %add3A, %mul3A_1 : i32
    %lt3A = arith.constant 15 : i32
    %lt3A_3 = arith.cmpi slt, %arg1, %lt3A : i32
    %convert_element_type3A = arith.extui %lt3A_3 : i1 to i32
    %cond3A = arith.constant 0 : i32
    %cond3A_4 = arith.cmpi ne, %convert_element_type3A, %cond3A : i32
    scf.if %cond3A_4 {
      %mul3A_109 = arith.constant 64 : i32
      %mul3A_110 = arith.muli %arg1, %mul3A_109 : i32
      "tpu.region"() ({
        %run_scoped3A = tpu.sem_alloc : memref<!tpu.dma_semaphore, #tpu.memory_space<semaphore_mem>>
        %dma_start3A_111 = arith.constant 0 : i32
        %dma_start3A_112 = tpu.memref_slice %arg27[%mul3A_110, %dma_start3A_111] : memref<1000x128xf32, #tpu.memory_space<vmem_shared>> -> memref<64x128xf32, #tpu.memory_space<vmem_shared>>
        %dma_start3A_113 = arith.constant 0 : i32
        %dma_start3A_114 = tpu.memref_slice %arg5[%mul3A_110, %dma_start3A_113] : memref<1000x128xf32, #tpu.memory_space<hbm>> -> memref<64x128xf32, #tpu.memory_space<hbm>>
        tpu.enqueue_dma source(%dma_start3A_114 : memref<64x128xf32, #tpu.memory_space<hbm>>) target(%dma_start3A_112 : memref<64x128xf32, #tpu.memory_space<vmem_shared>>) target_semaphore(%run_scoped3A : memref<!tpu.dma_semaphore, #tpu.memory_space<semaphore_mem>>)
        %dma_wait3A_115 = arith.constant 0 : i32
        %dma_wait3A_116 = tpu.memref_slice %arg27[%mul3A_110, %dma_wait3A_115] : memref<1000x128xf32, #tpu.memory_space<vmem_shared>> -> memref<64x128xf32, #tpu.memory_space<vmem_shared>>
        %dma_wait3A_117 = arith.constant 0 : i32
        %dma_wait3A_118 = tpu.memref_slice %arg5[%mul3A_110, %dma_wait3A_117] : memref<1000x128xf32, #tpu.memory_space<hbm>> -> memref<64x128xf32, #tpu.memory_space<hbm>>
        tpu.wait_dma2 semaphore(%run_scoped3A : memref<!tpu.dma_semaphore, #tpu.memory_space<semaphore_mem>>) src(%dma_wait3A_118 : memref<64x128xf32, #tpu.memory_space<hbm>>) dst(%dma_wait3A_116 : memref<64x128xf32, #tpu.memory_space<vmem_shared>>)
        tpu.yield
      }) : () -> ()
    } else {
    }
    %eq3A = arith.constant 15 : i32
    %eq3A_5 = arith.cmpi eq, %arg1, %eq3A : i32
    %convert_element_type3A_6 = arith.extui %eq3A_5 : i1 to i32
    %cond3A_7 = arith.constant 0 : i32
    %cond3A_8 = arith.cmpi ne, %convert_element_type3A_6, %cond3A_7 : i32
    scf.if %cond3A_8 {
      "tpu.region"() ({
        %run_scoped3A = tpu.sem_alloc : memref<!tpu.dma_semaphore, #tpu.memory_space<semaphore_mem>>
        %dma_start3A_109 = arith.constant 960 : i32
        %dma_start3A_110 = arith.constant 0 : i32
        %dma_start3A_111 = tpu.memref_slice %arg27[%dma_start3A_109, %dma_start3A_110] : memref<1000x128xf32, #tpu.memory_space<vmem_shared>> -> memref<40x128xf32, #tpu.memory_space<vmem_shared>>
        %dma_start3A_112 = arith.constant 960 : i32
        %dma_start3A_113 = arith.constant 0 : i32
        %dma_start3A_114 = tpu.memref_slice %arg5[%dma_start3A_112, %dma_start3A_113] : memref<1000x128xf32, #tpu.memory_space<hbm>> -> memref<40x128xf32, #tpu.memory_space<hbm>>
        tpu.enqueue_dma source(%dma_start3A_114 : memref<40x128xf32, #tpu.memory_space<hbm>>) target(%dma_start3A_111 : memref<40x128xf32, #tpu.memory_space<vmem_shared>>) target_semaphore(%run_scoped3A : memref<!tpu.dma_semaphore, #tpu.memory_space<semaphore_mem>>)
        %dma_wait3A_115 = arith.constant 960 : i32
        %dma_wait3A_116 = arith.constant 0 : i32
        %dma_wait3A_117 = tpu.memref_slice %arg27[%dma_wait3A_115, %dma_wait3A_116] : memref<1000x128xf32, #tpu.memory_space<vmem_shared>> -> memref<40x128xf32, #tpu.memory_space<vmem_shared>>
        %dma_wait3A_118 = arith.constant 960 : i32
        %dma_wait3A_119 = arith.constant 0 : i32
        %dma_wait3A_120 = tpu.memref_slice %arg5[%dma_wait3A_118, %dma_wait3A_119] : memref<1000x128xf32, #tpu.memory_space<hbm>> -> memref<40x128xf32, #tpu.memory_space<hbm>>
        tpu.wait_dma2 semaphore(%run_scoped3A : memref<!tpu.dma_semaphore, #tpu.memory_space<semaphore_mem>>) src(%dma_wait3A_120 : memref<40x128xf32, #tpu.memory_space<hbm>>) dst(%dma_wait3A_117 : memref<40x128xf32, #tpu.memory_space<vmem_shared>>)
        tpu.yield
      }) : () -> ()
    } else {
    }
    %barrier3A = arith.constant 0 : index
    tpu.barrier barrier_id(%barrier3A)
    %add3A_9 = arith.constant 0 : i32
    %add3A_10 = arith.addi %mul3A_2, %add3A_9 : i32
    %dma_start3A = tpu.memref_slice %arg2[%add3A_10] : memref<409600xi32, #tpu.memory_space<hbm>> -> memref<64xi32, #tpu.memory_space<hbm>>
    %dma_start3A_11 = tpu.memref_slice %arg2[%add3A_10] : memref<409600xi32, #tpu.memory_space<hbm>> -> memref<64xi32, #tpu.memory_space<hbm>>
    tpu.enqueue_dma source(%dma_start3A_11 : memref<64xi32, #tpu.memory_space<hbm>>) target(%arg7 : memref<64xi32, #tpu.memory_space<vmem>>) target_semaphore(%arg28 : memref<!tpu.dma_semaphore, #tpu.memory_space<semaphore_mem>>)
    %dma_start3A_12 = tpu.memref_slice %arg3[%add3A_10] : memref<409600xi32, #tpu.memory_space<hbm>> -> memref<64xi32, #tpu.memory_space<hbm>>
    %dma_start3A_13 = tpu.memref_slice %arg3[%add3A_10] : memref<409600xi32, #tpu.memory_space<hbm>> -> memref<64xi32, #tpu.memory_space<hbm>>
    tpu.enqueue_dma source(%dma_start3A_13 : memref<64xi32, #tpu.memory_space<hbm>>) target(%arg11 : memref<64xi32, #tpu.memory_space<vmem>>) target_semaphore(%arg32 : memref<!tpu.dma_semaphore, #tpu.memory_space<semaphore_mem>>)
    %add3A_14 = arith.constant 0 : i32
    %add3A_15 = arith.addi %mul3A_2, %add3A_14 : i32
    %dma_wait3A = tpu.memref_slice %arg2[%add3A_15] : memref<409600xi32, #tpu.memory_space<hbm>> -> memref<64xi32, #tpu.memory_space<hbm>>
    %dma_wait3A_16 = tpu.memref_slice %arg2[%add3A_15] : memref<409600xi32, #tpu.memory_space<hbm>> -> memref<64xi32, #tpu.memory_space<hbm>>
    tpu.wait_dma2 semaphore(%arg28 : memref<!tpu.dma_semaphore, #tpu.memory_space<semaphore_mem>>) src(%dma_wait3A_16 : memref<64xi32, #tpu.memory_space<hbm>>) dst(%arg7 : memref<64xi32, #tpu.memory_space<vmem>>)
    %dma_wait3A_17 = tpu.memref_slice %arg3[%add3A_15] : memref<409600xi32, #tpu.memory_space<hbm>> -> memref<64xi32, #tpu.memory_space<hbm>>
    %dma_wait3A_18 = tpu.memref_slice %arg3[%add3A_15] : memref<409600xi32, #tpu.memory_space<hbm>> -> memref<64xi32, #tpu.memory_space<hbm>>
    tpu.wait_dma2 semaphore(%arg32 : memref<!tpu.dma_semaphore, #tpu.memory_space<semaphore_mem>>) src(%dma_wait3A_18 : memref<64xi32, #tpu.memory_space<hbm>>) dst(%arg11 : memref<64xi32, #tpu.memory_space<vmem>>)
    %dma_start3A_19 = arith.constant 0 : i32
    %dma_start3A_20 = arith.constant 0 : i32
    %dma_start3A_21 = tpu.memref_slice %arg4[%dma_start3A_19, %dma_start3A_20] : memref<100000x128xf32, #tpu.memory_space<hbm>> -> memref<100000x128xf32, #tpu.memory_space<hbm>>
    tpu.enqueue_indirect_dma source(%dma_start3A_21 : memref<100000x128xf32, #tpu.memory_space<hbm>>) target(%arg15 : memref<64x128xf32, #tpu.memory_space<vmem>>) offsets(%arg7 : memref<64xi32, #tpu.memory_space<vmem>>) semaphore(%arg36 : memref<!tpu.dma_semaphore, #tpu.memory_space<semaphore_mem>>)
    %dma_start3A_22 = arith.constant 0 : i32
    %dma_start3A_23 = arith.constant 0 : i32
    %dma_start3A_24 = tpu.memref_slice %arg27[%dma_start3A_22, %dma_start3A_23] : memref<1000x128xf32, #tpu.memory_space<vmem_shared>> -> memref<1000x128xf32, #tpu.memory_space<vmem_shared>>
    tpu.enqueue_indirect_dma source(%dma_start3A_24 : memref<1000x128xf32, #tpu.memory_space<vmem_shared>>) target(%arg19 : memref<64x128xf32, #tpu.memory_space<vmem>>) offsets(%arg11 : memref<64xi32, #tpu.memory_space<vmem>>) semaphore(%arg40 : memref<!tpu.dma_semaphore, #tpu.memory_space<semaphore_mem>>)
    %add3A_25 = arith.constant 64 : i32
    %add3A_26 = arith.addi %mul3A_2, %add3A_25 : i32
    %dma_start3A_27 = tpu.memref_slice %arg2[%add3A_26] : memref<409600xi32, #tpu.memory_space<hbm>> -> memref<64xi32, #tpu.memory_space<hbm>>
    %dma_start3A_28 = tpu.memref_slice %arg2[%add3A_26] : memref<409600xi32, #tpu.memory_space<hbm>> -> memref<64xi32, #tpu.memory_space<hbm>>
    tpu.enqueue_dma source(%dma_start3A_28 : memref<64xi32, #tpu.memory_space<hbm>>) target(%arg8 : memref<64xi32, #tpu.memory_space<vmem>>) target_semaphore(%arg29 : memref<!tpu.dma_semaphore, #tpu.memory_space<semaphore_mem>>)
    %dma_start3A_29 = tpu.memref_slice %arg3[%add3A_26] : memref<409600xi32, #tpu.memory_space<hbm>> -> memref<64xi32, #tpu.memory_space<hbm>>
    %dma_start3A_30 = tpu.memref_slice %arg3[%add3A_26] : memref<409600xi32, #tpu.memory_space<hbm>> -> memref<64xi32, #tpu.memory_space<hbm>>
    tpu.enqueue_dma source(%dma_start3A_30 : memref<64xi32, #tpu.memory_space<hbm>>) target(%arg12 : memref<64xi32, #tpu.memory_space<vmem>>) target_semaphore(%arg33 : memref<!tpu.dma_semaphore, #tpu.memory_space<semaphore_mem>>)
    %add3A_31 = arith.constant 64 : i32
    %add3A_32 = arith.addi %mul3A_2, %add3A_31 : i32
    %dma_wait3A_33 = tpu.memref_slice %arg2[%add3A_32] : memref<409600xi32, #tpu.memory_space<hbm>> -> memref<64xi32, #tpu.memory_space<hbm>>
    %dma_wait3A_34 = tpu.memref_slice %arg2[%add3A_32] : memref<409600xi32, #tpu.memory_space<hbm>> -> memref<64xi32, #tpu.memory_space<hbm>>
    tpu.wait_dma2 semaphore(%arg29 : memref<!tpu.dma_semaphore, #tpu.memory_space<semaphore_mem>>) src(%dma_wait3A_34 : memref<64xi32, #tpu.memory_space<hbm>>) dst(%arg8 : memref<64xi32, #tpu.memory_space<vmem>>)
    %dma_wait3A_35 = tpu.memref_slice %arg3[%add3A_32] : memref<409600xi32, #tpu.memory_space<hbm>> -> memref<64xi32, #tpu.memory_space<hbm>>
    %dma_wait3A_36 = tpu.memref_slice %arg3[%add3A_32] : memref<409600xi32, #tpu.memory_space<hbm>> -> memref<64xi32, #tpu.memory_space<hbm>>
    tpu.wait_dma2 semaphore(%arg33 : memref<!tpu.dma_semaphore, #tpu.memory_space<semaphore_mem>>) src(%dma_wait3A_36 : memref<64xi32, #tpu.memory_space<hbm>>) dst(%arg12 : memref<64xi32, #tpu.memory_space<vmem>>)
    %dma_start3A_37 = arith.constant 0 : i32
    %dma_start3A_38 = arith.constant 0 : i32
    %dma_start3A_39 = tpu.memref_slice %arg4[%dma_start3A_37, %dma_start3A_38] : memref<100000x128xf32, #tpu.memory_space<hbm>> -> memref<100000x128xf32, #tpu.memory_space<hbm>>
    tpu.enqueue_indirect_dma source(%dma_start3A_39 : memref<100000x128xf32, #tpu.memory_space<hbm>>) target(%arg16 : memref<64x128xf32, #tpu.memory_space<vmem>>) offsets(%arg8 : memref<64xi32, #tpu.memory_space<vmem>>) semaphore(%arg37 : memref<!tpu.dma_semaphore, #tpu.memory_space<semaphore_mem>>)
    %dma_start3A_40 = arith.constant 0 : i32
    %dma_start3A_41 = arith.constant 0 : i32
    %dma_start3A_42 = tpu.memref_slice %arg27[%dma_start3A_40, %dma_start3A_41] : memref<1000x128xf32, #tpu.memory_space<vmem_shared>> -> memref<1000x128xf32, #tpu.memory_space<vmem_shared>>
    tpu.enqueue_indirect_dma source(%dma_start3A_42 : memref<1000x128xf32, #tpu.memory_space<vmem_shared>>) target(%arg20 : memref<64x128xf32, #tpu.memory_space<vmem>>) offsets(%arg12 : memref<64xi32, #tpu.memory_space<vmem>>) semaphore(%arg41 : memref<!tpu.dma_semaphore, #tpu.memory_space<semaphore_mem>>)
    %add3A_43 = arith.constant 128 : i32
    %add3A_44 = arith.addi %mul3A_2, %add3A_43 : i32
    %dma_start3A_45 = tpu.memref_slice %arg2[%add3A_44] : memref<409600xi32, #tpu.memory_space<hbm>> -> memref<64xi32, #tpu.memory_space<hbm>>
    %dma_start3A_46 = tpu.memref_slice %arg2[%add3A_44] : memref<409600xi32, #tpu.memory_space<hbm>> -> memref<64xi32, #tpu.memory_space<hbm>>
    tpu.enqueue_dma source(%dma_start3A_46 : memref<64xi32, #tpu.memory_space<hbm>>) target(%arg9 : memref<64xi32, #tpu.memory_space<vmem>>) target_semaphore(%arg30 : memref<!tpu.dma_semaphore, #tpu.memory_space<semaphore_mem>>)
    %dma_start3A_47 = tpu.memref_slice %arg3[%add3A_44] : memref<409600xi32, #tpu.memory_space<hbm>> -> memref<64xi32, #tpu.memory_space<hbm>>
    %dma_start3A_48 = tpu.memref_slice %arg3[%add3A_44] : memref<409600xi32, #tpu.memory_space<hbm>> -> memref<64xi32, #tpu.memory_space<hbm>>
    tpu.enqueue_dma source(%dma_start3A_48 : memref<64xi32, #tpu.memory_space<hbm>>) target(%arg13 : memref<64xi32, #tpu.memory_space<vmem>>) target_semaphore(%arg34 : memref<!tpu.dma_semaphore, #tpu.memory_space<semaphore_mem>>)
    %add3A_49 = arith.constant 128 : i32
    %add3A_50 = arith.addi %mul3A_2, %add3A_49 : i32
    %dma_wait3A_51 = tpu.memref_slice %arg2[%add3A_50] : memref<409600xi32, #tpu.memory_space<hbm>> -> memref<64xi32, #tpu.memory_space<hbm>>
    %dma_wait3A_52 = tpu.memref_slice %arg2[%add3A_50] : memref<409600xi32, #tpu.memory_space<hbm>> -> memref<64xi32, #tpu.memory_space<hbm>>
    tpu.wait_dma2 semaphore(%arg30 : memref<!tpu.dma_semaphore, #tpu.memory_space<semaphore_mem>>) src(%dma_wait3A_52 : memref<64xi32, #tpu.memory_space<hbm>>) dst(%arg9 : memref<64xi32, #tpu.memory_space<vmem>>)
    %dma_wait3A_53 = tpu.memref_slice %arg3[%add3A_50] : memref<409600xi32, #tpu.memory_space<hbm>> -> memref<64xi32, #tpu.memory_space<hbm>>
    %dma_wait3A_54 = tpu.memref_slice %arg3[%add3A_50] : memref<409600xi32, #tpu.memory_space<hbm>> -> memref<64xi32, #tpu.memory_space<hbm>>
    tpu.wait_dma2 semaphore(%arg34 : memref<!tpu.dma_semaphore, #tpu.memory_space<semaphore_mem>>) src(%dma_wait3A_54 : memref<64xi32, #tpu.memory_space<hbm>>) dst(%arg13 : memref<64xi32, #tpu.memory_space<vmem>>)
    %dma_start3A_55 = arith.constant 0 : i32
    %dma_start3A_56 = arith.constant 0 : i32
    %dma_start3A_57 = tpu.memref_slice %arg4[%dma_start3A_55, %dma_start3A_56] : memref<100000x128xf32, #tpu.memory_space<hbm>> -> memref<100000x128xf32, #tpu.memory_space<hbm>>
    tpu.enqueue_indirect_dma source(%dma_start3A_57 : memref<100000x128xf32, #tpu.memory_space<hbm>>) target(%arg17 : memref<64x128xf32, #tpu.memory_space<vmem>>) offsets(%arg9 : memref<64xi32, #tpu.memory_space<vmem>>) semaphore(%arg38 : memref<!tpu.dma_semaphore, #tpu.memory_space<semaphore_mem>>)
    %dma_start3A_58 = arith.constant 0 : i32
    %dma_start3A_59 = arith.constant 0 : i32
    %dma_start3A_60 = tpu.memref_slice %arg27[%dma_start3A_58, %dma_start3A_59] : memref<1000x128xf32, #tpu.memory_space<vmem_shared>> -> memref<1000x128xf32, #tpu.memory_space<vmem_shared>>
    tpu.enqueue_indirect_dma source(%dma_start3A_60 : memref<1000x128xf32, #tpu.memory_space<vmem_shared>>) target(%arg21 : memref<64x128xf32, #tpu.memory_space<vmem>>) offsets(%arg13 : memref<64xi32, #tpu.memory_space<vmem>>) semaphore(%arg42 : memref<!tpu.dma_semaphore, #tpu.memory_space<semaphore_mem>>)
    %add3A_61 = arith.constant 192 : i32
    %add3A_62 = arith.addi %mul3A_2, %add3A_61 : i32
    %dma_start3A_63 = tpu.memref_slice %arg2[%add3A_62] : memref<409600xi32, #tpu.memory_space<hbm>> -> memref<64xi32, #tpu.memory_space<hbm>>
    %dma_start3A_64 = tpu.memref_slice %arg2[%add3A_62] : memref<409600xi32, #tpu.memory_space<hbm>> -> memref<64xi32, #tpu.memory_space<hbm>>
    tpu.enqueue_dma source(%dma_start3A_64 : memref<64xi32, #tpu.memory_space<hbm>>) target(%arg10 : memref<64xi32, #tpu.memory_space<vmem>>) target_semaphore(%arg31 : memref<!tpu.dma_semaphore, #tpu.memory_space<semaphore_mem>>)
    %dma_start3A_65 = tpu.memref_slice %arg3[%add3A_62] : memref<409600xi32, #tpu.memory_space<hbm>> -> memref<64xi32, #tpu.memory_space<hbm>>
    %dma_start3A_66 = tpu.memref_slice %arg3[%add3A_62] : memref<409600xi32, #tpu.memory_space<hbm>> -> memref<64xi32, #tpu.memory_space<hbm>>
    tpu.enqueue_dma source(%dma_start3A_66 : memref<64xi32, #tpu.memory_space<hbm>>) target(%arg14 : memref<64xi32, #tpu.memory_space<vmem>>) target_semaphore(%arg35 : memref<!tpu.dma_semaphore, #tpu.memory_space<semaphore_mem>>)
    %add3A_67 = arith.constant 192 : i32
    %add3A_68 = arith.addi %mul3A_2, %add3A_67 : i32
    %dma_wait3A_69 = tpu.memref_slice %arg2[%add3A_68] : memref<409600xi32, #tpu.memory_space<hbm>> -> memref<64xi32, #tpu.memory_space<hbm>>
    %dma_wait3A_70 = tpu.memref_slice %arg2[%add3A_68] : memref<409600xi32, #tpu.memory_space<hbm>> -> memref<64xi32, #tpu.memory_space<hbm>>
    tpu.wait_dma2 semaphore(%arg31 : memref<!tpu.dma_semaphore, #tpu.memory_space<semaphore_mem>>) src(%dma_wait3A_70 : memref<64xi32, #tpu.memory_space<hbm>>) dst(%arg10 : memref<64xi32, #tpu.memory_space<vmem>>)
    %dma_wait3A_71 = tpu.memref_slice %arg3[%add3A_68] : memref<409600xi32, #tpu.memory_space<hbm>> -> memref<64xi32, #tpu.memory_space<hbm>>
    %dma_wait3A_72 = tpu.memref_slice %arg3[%add3A_68] : memref<409600xi32, #tpu.memory_space<hbm>> -> memref<64xi32, #tpu.memory_space<hbm>>
    tpu.wait_dma2 semaphore(%arg35 : memref<!tpu.dma_semaphore, #tpu.memory_space<semaphore_mem>>) src(%dma_wait3A_72 : memref<64xi32, #tpu.memory_space<hbm>>) dst(%arg14 : memref<64xi32, #tpu.memory_space<vmem>>)
    %dma_start3A_73 = arith.constant 0 : i32
    %dma_start3A_74 = arith.constant 0 : i32
    %dma_start3A_75 = tpu.memref_slice %arg4[%dma_start3A_73, %dma_start3A_74] : memref<100000x128xf32, #tpu.memory_space<hbm>> -> memref<100000x128xf32, #tpu.memory_space<hbm>>
    tpu.enqueue_indirect_dma source(%dma_start3A_75 : memref<100000x128xf32, #tpu.memory_space<hbm>>) target(%arg18 : memref<64x128xf32, #tpu.memory_space<vmem>>) offsets(%arg10 : memref<64xi32, #tpu.memory_space<vmem>>) semaphore(%arg39 : memref<!tpu.dma_semaphore, #tpu.memory_space<semaphore_mem>>)
    %dma_start3A_76 = arith.constant 0 : i32
    %dma_start3A_77 = arith.constant 0 : i32
    %dma_start3A_78 = tpu.memref_slice %arg27[%dma_start3A_76, %dma_start3A_77] : memref<1000x128xf32, #tpu.memory_space<vmem_shared>> -> memref<1000x128xf32, #tpu.memory_space<vmem_shared>>
    tpu.enqueue_indirect_dma source(%dma_start3A_78 : memref<1000x128xf32, #tpu.memory_space<vmem_shared>>) target(%arg22 : memref<64x128xf32, #tpu.memory_space<vmem>>) offsets(%arg14 : memref<64xi32, #tpu.memory_space<vmem>>) semaphore(%arg43 : memref<!tpu.dma_semaphore, #tpu.memory_space<semaphore_mem>>)
    %scan3A = arith.constant 0 : i32
    %scan3A_79 = arith.constant 0 : i32
    %scan3A_80 = arith.constant 50 : i32
    %scan3A_81 = arith.addi %scan3A_79, %scan3A_80 : i32
    %scan3A_82 = arith.constant 1 : i32
    %scan3A_83 = scf.for %scan3A_109 = %scan3A_79 to %scan3A_81 step %scan3A_82 iter_args(%scan3A_110 = %scan3A) -> (i32)  : i32 {
      %mul3A_111 = arith.constant 4 : i32
      %mul3A_112 = arith.muli %scan3A_109, %mul3A_111 : i32
      %add3A_113 = arith.constant 0 : i32
      %add3A_114 = arith.addi %mul3A_112, %add3A_113 : i32
      %add3A_115 = arith.constant 4 : i32
      %add3A_116 = arith.addi %add3A_114, %add3A_115 : i32
      %dma_wait3A_117 = arith.constant 0 : i32
      %dma_wait3A_118 = arith.constant 0 : i32
      %dma_wait3A_119 = tpu.memref_slice %arg4[%dma_wait3A_117, %dma_wait3A_118] : memref<100000x128xf32, #tpu.memory_space<hbm>> -> memref<100000x128xf32, #tpu.memory_space<hbm>>
      tpu.wait_indirect_dma semaphore(%arg36 : memref<!tpu.dma_semaphore, #tpu.memory_space<semaphore_mem>>) src(%dma_wait3A_119 : memref<100000x128xf32, #tpu.memory_space<hbm>>) dst(%arg15 : memref<64x128xf32, #tpu.memory_space<vmem>>)
      %dma_wait3A_120 = arith.constant 0 : i32
      %dma_wait3A_121 = arith.constant 0 : i32
      %dma_wait3A_122 = tpu.memref_slice %arg27[%dma_wait3A_120, %dma_wait3A_121] : memref<1000x128xf32, #tpu.memory_space<vmem_shared>> -> memref<1000x128xf32, #tpu.memory_space<vmem_shared>>
      tpu.wait_indirect_dma semaphore(%arg40 : memref<!tpu.dma_semaphore, #tpu.memory_space<semaphore_mem>>) src(%dma_wait3A_122 : memref<1000x128xf32, #tpu.memory_space<vmem_shared>>) dst(%arg19 : memref<64x128xf32, #tpu.memory_space<vmem>>)
      %lt3A_123 = arith.constant 200 : i32
      %lt3A_124 = arith.cmpi slt, %add3A_116, %lt3A_123 : i32
      %convert_element_type3A_125 = arith.extui %lt3A_124 : i1 to i32
      %cond3A_126 = arith.constant 0 : i32
      %cond3A_127 = arith.cmpi ne, %convert_element_type3A_125, %cond3A_126 : i32
      scf.if %cond3A_127 {
        %mul3A_275 = arith.constant 64 : i32
        %mul3A_276 = arith.muli %add3A_116, %mul3A_275 : i32
        %add3A_277 = arith.addi %mul3A_2, %mul3A_276 : i32
        %dma_start3A_278 = tpu.memref_slice %arg2[%add3A_277] : memref<409600xi32, #tpu.memory_space<hbm>> -> memref<64xi32, #tpu.memory_space<hbm>>
        %dma_start3A_279 = tpu.memref_slice %arg2[%add3A_277] : memref<409600xi32, #tpu.memory_space<hbm>> -> memref<64xi32, #tpu.memory_space<hbm>>
        tpu.enqueue_dma source(%dma_start3A_279 : memref<64xi32, #tpu.memory_space<hbm>>) target(%arg7 : memref<64xi32, #tpu.memory_space<vmem>>) target_semaphore(%arg28 : memref<!tpu.dma_semaphore, #tpu.memory_space<semaphore_mem>>)
        %dma_start3A_280 = tpu.memref_slice %arg3[%add3A_277] : memref<409600xi32, #tpu.memory_space<hbm>> -> memref<64xi32, #tpu.memory_space<hbm>>
        %dma_start3A_281 = tpu.memref_slice %arg3[%add3A_277] : memref<409600xi32, #tpu.memory_space<hbm>> -> memref<64xi32, #tpu.memory_space<hbm>>
        tpu.enqueue_dma source(%dma_start3A_281 : memref<64xi32, #tpu.memory_space<hbm>>) target(%arg11 : memref<64xi32, #tpu.memory_space<vmem>>) target_semaphore(%arg32 : memref<!tpu.dma_semaphore, #tpu.memory_space<semaphore_mem>>)
      } else {
      }
      %ge3A = arith.constant 4 : i32
      %ge3A_128 = arith.cmpi sge, %add3A_114, %ge3A : i32
      %convert_element_type3A_129 = arith.extui %ge3A_128 : i1 to i32
      %cond3A_130 = arith.constant 0 : i32
      %cond3A_131 = arith.cmpi ne, %convert_element_type3A_129, %cond3A_130 : i32
      scf.if %cond3A_131 {
        %sub3A = arith.constant 4 : i32
        %sub3A_275 = arith.subi %add3A_114, %sub3A : i32
        %mul3A_276 = arith.constant 64 : i32
        %mul3A_277 = arith.muli %sub3A_275, %mul3A_276 : i32
        %add3A_278 = arith.addi %mul3A_2, %mul3A_277 : i32
        %dma_wait3A_279 = arith.constant 0 : i32
        %dma_wait3A_280 = tpu.memref_slice %arg6[%add3A_278, %dma_wait3A_279] : memref<409600x128xf32, #tpu.memory_space<hbm>> -> memref<64x128xf32, #tpu.memory_space<hbm>>
        %dma_wait3A_281 = arith.constant 0 : i32
        %dma_wait3A_282 = tpu.memref_slice %arg6[%add3A_278, %dma_wait3A_281] : memref<409600x128xf32, #tpu.memory_space<hbm>> -> memref<64x128xf32, #tpu.memory_space<hbm>>
        tpu.wait_dma2 semaphore(%arg44 : memref<!tpu.dma_semaphore, #tpu.memory_space<semaphore_mem>>) src(%arg23 : memref<64x128xf32, #tpu.memory_space<vmem>>) dst(%dma_wait3A_282 : memref<64x128xf32, #tpu.memory_space<hbm>>)
      } else {
      }
      %scan3A_132 = arith.constant 0 : i32
      %scan3A_133 = arith.constant 0 : i32
      %scan3A_134 = arith.constant 64 : i32
      %scan3A_135 = arith.addi %scan3A_133, %scan3A_134 : i32
      %scan3A_136 = arith.constant 1 : i32
      %scan3A_137 = scf.for %scan3A_275 = %scan3A_133 to %scan3A_135 step %scan3A_136 iter_args(%scan3A_276 = %scan3A_132) -> (i32)  : i32 {
        %get3A = arith.index_cast %scan3A_275 : i32 to index
        %get3A_277 = arith.constant 0 : index
        %get3A_278 = tpu.vector_load %arg15[%get3A, %get3A_277] {strides = array<i32>} : memref<64x128xf32, #tpu.memory_space<vmem>>, vector<1x16xf32>,
        %get3A_279 = vector.shape_cast %get3A_278 : vector<1x16xf32> to vector<16xf32>
        %get3A_280 = arith.index_cast %scan3A_275 : i32 to index
        %get3A_281 = arith.constant 0 : index
        %get3A_282 = tpu.vector_load %arg19[%get3A_280, %get3A_281] {strides = array<i32>} : memref<64x128xf32, #tpu.memory_space<vmem>>, vector<1x16xf32>,
        %get3A_283 = vector.shape_cast %get3A_282 : vector<1x16xf32> to vector<16xf32>
        %add3A_284 = arith.addf %get3A_279, %get3A_283 : vector<16xf32>
        %swap3A = arith.index_cast %scan3A_275 : i32 to index
        %swap3A_285 = arith.constant 0 : index
        %swap3A_286 = tpu.vector_load %arg23[%swap3A, %swap3A_285] {strides = array<i32>} : memref<64x128xf32, #tpu.memory_space<vmem>>, vector<1x16xf32>,
        %swap3A_287 = vector.shape_cast %swap3A_286 : vector<1x16xf32> to vector<16xf32>
        %swap3A_288 = vector.shape_cast %add3A_284 : vector<16xf32> to vector<1x16xf32>
        tpu.vector_store %arg23[%swap3A, %swap3A_285], %swap3A_288 {strides = array<i32>} : memref<64x128xf32, #tpu.memory_space<vmem>>, vector<1x16xf32>,
        %get3A_289 = arith.index_cast %scan3A_275 : i32 to index
        %get3A_290 = arith.constant 16 : index
        %get3A_291 = tpu.vector_load %arg15[%get3A_289, %get3A_290] {strides = array<i32>} : memref<64x128xf32, #tpu.memory_space<vmem>>, vector<1x16xf32>,
        %get3A_292 = vector.shape_cast %get3A_291 : vector<1x16xf32> to vector<16xf32>
        %get3A_293 = arith.index_cast %scan3A_275 : i32 to index
        %get3A_294 = arith.constant 16 : index
        %get3A_295 = tpu.vector_load %arg19[%get3A_293, %get3A_294] {strides = array<i32>} : memref<64x128xf32, #tpu.memory_space<vmem>>, vector<1x16xf32>,
        %get3A_296 = vector.shape_cast %get3A_295 : vector<1x16xf32> to vector<16xf32>
        %add3A_297 = arith.addf %get3A_292, %get3A_296 : vector<16xf32>
        %swap3A_298 = arith.index_cast %scan3A_275 : i32 to index
        %swap3A_299 = arith.constant 16 : index
        %swap3A_300 = tpu.vector_load %arg23[%swap3A_298, %swap3A_299] {strides = array<i32>} : memref<64x128xf32, #tpu.memory_space<vmem>>, vector<1x16xf32>,
        %swap3A_301 = vector.shape_cast %swap3A_300 : vector<1x16xf32> to vector<16xf32>
        %swap3A_302 = vector.shape_cast %add3A_297 : vector<16xf32> to vector<1x16xf32>
        tpu.vector_store %arg23[%swap3A_298, %swap3A_299], %swap3A_302 {strides = array<i32>} : memref<64x128xf32, #tpu.memory_space<vmem>>, vector<1x16xf32>,
        %get3A_303 = arith.index_cast %scan3A_275 : i32 to index
        %get3A_304 = arith.constant 32 : index
        %get3A_305 = tpu.vector_load %arg15[%get3A_303, %get3A_304] {strides = array<i32>} : memref<64x128xf32, #tpu.memory_space<vmem>>, vector<1x16xf32>,
        %get3A_306 = vector.shape_cast %get3A_305 : vector<1x16xf32> to vector<16xf32>
        %get3A_307 = arith.index_cast %scan3A_275 : i32 to index
        %get3A_308 = arith.constant 32 : index
        %get3A_309 = tpu.vector_load %arg19[%get3A_307, %get3A_308] {strides = array<i32>} : memref<64x128xf32, #tpu.memory_space<vmem>>, vector<1x16xf32>,
        %get3A_310 = vector.shape_cast %get3A_309 : vector<1x16xf32> to vector<16xf32>
        %add3A_311 = arith.addf %get3A_306, %get3A_310 : vector<16xf32>
        %swap3A_312 = arith.index_cast %scan3A_275 : i32 to index
        %swap3A_313 = arith.constant 32 : index
        %swap3A_314 = tpu.vector_load %arg23[%swap3A_312, %swap3A_313] {strides = array<i32>} : memref<64x128xf32, #tpu.memory_space<vmem>>, vector<1x16xf32>,
        %swap3A_315 = vector.shape_cast %swap3A_314 : vector<1x16xf32> to vector<16xf32>
        %swap3A_316 = vector.shape_cast %add3A_311 : vector<16xf32> to vector<1x16xf32>
        tpu.vector_store %arg23[%swap3A_312, %swap3A_313], %swap3A_316 {strides = array<i32>} : memref<64x128xf32, #tpu.memory_space<vmem>>, vector<1x16xf32>,
        %get3A_317 = arith.index_cast %scan3A_275 : i32 to index
        %get3A_318 = arith.constant 48 : index
        %get3A_319 = tpu.vector_load %arg15[%get3A_317, %get3A_318] {strides = array<i32>} : memref<64x128xf32, #tpu.memory_space<vmem>>, vector<1x16xf32>,
        %get3A_320 = vector.shape_cast %get3A_319 : vector<1x16xf32> to vector<16xf32>
        %get3A_321 = arith.index_cast %scan3A_275 : i32 to index
        %get3A_322 = arith.constant 48 : index
        %get3A_323 = tpu.vector_load %arg19[%get3A_321, %get3A_322] {strides = array<i32>} : memref<64x128xf32, #tpu.memory_space<vmem>>, vector<1x16xf32>,
        %get3A_324 = vector.shape_cast %get3A_323 : vector<1x16xf32> to vector<16xf32>
        %add3A_325 = arith.addf %get3A_320, %get3A_324 : vector<16xf32>
        %swap3A_326 = arith.index_cast %scan3A_275 : i32 to index
        %swap3A_327 = arith.constant 48 : index
        %swap3A_328 = tpu.vector_load %arg23[%swap3A_326, %swap3A_327] {strides = array<i32>} : memref<64x128xf32, #tpu.memory_space<vmem>>, vector<1x16xf32>,
        %swap3A_329 = vector.shape_cast %swap3A_328 : vector<1x16xf32> to vector<16xf32>
        %swap3A_330 = vector.shape_cast %add3A_325 : vector<16xf32> to vector<1x16xf32>
        tpu.vector_store %arg23[%swap3A_326, %swap3A_327], %swap3A_330 {strides = array<i32>} : memref<64x128xf32, #tpu.memory_space<vmem>>, vector<1x16xf32>,
        %get3A_331 = arith.index_cast %scan3A_275 : i32 to index
        %get3A_332 = arith.constant 64 : index
        %get3A_333 = tpu.vector_load %arg15[%get3A_331, %get3A_332] {strides = array<i32>} : memref<64x128xf32, #tpu.memory_space<vmem>>, vector<1x16xf32>,
        %get3A_334 = vector.shape_cast %get3A_333 : vector<1x16xf32> to vector<16xf32>
        %get3A_335 = arith.index_cast %scan3A_275 : i32 to index
        %get3A_336 = arith.constant 64 : index
        %get3A_337 = tpu.vector_load %arg19[%get3A_335, %get3A_336] {strides = array<i32>} : memref<64x128xf32, #tpu.memory_space<vmem>>, vector<1x16xf32>,
        %get3A_338 = vector.shape_cast %get3A_337 : vector<1x16xf32> to vector<16xf32>
        %add3A_339 = arith.addf %get3A_334, %get3A_338 : vector<16xf32>
        %swap3A_340 = arith.index_cast %scan3A_275 : i32 to index
        %swap3A_341 = arith.constant 64 : index
        %swap3A_342 = tpu.vector_load %arg23[%swap3A_340, %swap3A_341] {strides = array<i32>} : memref<64x128xf32, #tpu.memory_space<vmem>>, vector<1x16xf32>,
        %swap3A_343 = vector.shape_cast %swap3A_342 : vector<1x16xf32> to vector<16xf32>
        %swap3A_344 = vector.shape_cast %add3A_339 : vector<16xf32> to vector<1x16xf32>
        tpu.vector_store %arg23[%swap3A_340, %swap3A_341], %swap3A_344 {strides = array<i32>} : memref<64x128xf32, #tpu.memory_space<vmem>>, vector<1x16xf32>,
        %get3A_345 = arith.index_cast %scan3A_275 : i32 to index
        %get3A_346 = arith.constant 80 : index
        %get3A_347 = tpu.vector_load %arg15[%get3A_345, %get3A_346] {strides = array<i32>} : memref<64x128xf32, #tpu.memory_space<vmem>>, vector<1x16xf32>,
        %get3A_348 = vector.shape_cast %get3A_347 : vector<1x16xf32> to vector<16xf32>
        %get3A_349 = arith.index_cast %scan3A_275 : i32 to index
        %get3A_350 = arith.constant 80 : index
        %get3A_351 = tpu.vector_load %arg19[%get3A_349, %get3A_350] {strides = array<i32>} : memref<64x128xf32, #tpu.memory_space<vmem>>, vector<1x16xf32>,
        %get3A_352 = vector.shape_cast %get3A_351 : vector<1x16xf32> to vector<16xf32>
        %add3A_353 = arith.addf %get3A_348, %get3A_352 : vector<16xf32>
        %swap3A_354 = arith.index_cast %scan3A_275 : i32 to index
        %swap3A_355 = arith.constant 80 : index
        %swap3A_356 = tpu.vector_load %arg23[%swap3A_354, %swap3A_355] {strides = array<i32>} : memref<64x128xf32, #tpu.memory_space<vmem>>, vector<1x16xf32>,
        %swap3A_357 = vector.shape_cast %swap3A_356 : vector<1x16xf32> to vector<16xf32>
        %swap3A_358 = vector.shape_cast %add3A_353 : vector<16xf32> to vector<1x16xf32>
        tpu.vector_store %arg23[%swap3A_354, %swap3A_355], %swap3A_358 {strides = array<i32>} : memref<64x128xf32, #tpu.memory_space<vmem>>, vector<1x16xf32>,
        %get3A_359 = arith.index_cast %scan3A_275 : i32 to index
        %get3A_360 = arith.constant 96 : index
        %get3A_361 = tpu.vector_load %arg15[%get3A_359, %get3A_360] {strides = array<i32>} : memref<64x128xf32, #tpu.memory_space<vmem>>, vector<1x16xf32>,
        %get3A_362 = vector.shape_cast %get3A_361 : vector<1x16xf32> to vector<16xf32>
        %get3A_363 = arith.index_cast %scan3A_275 : i32 to index
        %get3A_364 = arith.constant 96 : index
        %get3A_365 = tpu.vector_load %arg19[%get3A_363, %get3A_364] {strides = array<i32>} : memref<64x128xf32, #tpu.memory_space<vmem>>, vector<1x16xf32>,
        %get3A_366 = vector.shape_cast %get3A_365 : vector<1x16xf32> to vector<16xf32>
        %add3A_367 = arith.addf %get3A_362, %get3A_366 : vector<16xf32>
        %swap3A_368 = arith.index_cast %scan3A_275 : i32 to index
        %swap3A_369 = arith.constant 96 : index
        %swap3A_370 = tpu.vector_load %arg23[%swap3A_368, %swap3A_369] {strides = array<i32>} : memref<64x128xf32, #tpu.memory_space<vmem>>, vector<1x16xf32>,
        %swap3A_371 = vector.shape_cast %swap3A_370 : vector<1x16xf32> to vector<16xf32>
        %swap3A_372 = vector.shape_cast %add3A_367 : vector<16xf32> to vector<1x16xf32>
        tpu.vector_store %arg23[%swap3A_368, %swap3A_369], %swap3A_372 {strides = array<i32>} : memref<64x128xf32, #tpu.memory_space<vmem>>, vector<1x16xf32>,
        %get3A_373 = arith.index_cast %scan3A_275 : i32 to index
        %get3A_374 = arith.constant 112 : index
        %get3A_375 = tpu.vector_load %arg15[%get3A_373, %get3A_374] {strides = array<i32>} : memref<64x128xf32, #tpu.memory_space<vmem>>, vector<1x16xf32>,
        %get3A_376 = vector.shape_cast %get3A_375 : vector<1x16xf32> to vector<16xf32>
        %get3A_377 = arith.index_cast %scan3A_275 : i32 to index
        %get3A_378 = arith.constant 112 : index
        %get3A_379 = tpu.vector_load %arg19[%get3A_377, %get3A_378] {strides = array<i32>} : memref<64x128xf32, #tpu.memory_space<vmem>>, vector<1x16xf32>,
        %get3A_380 = vector.shape_cast %get3A_379 : vector<1x16xf32> to vector<16xf32>
        %add3A_381 = arith.addf %get3A_376, %get3A_380 : vector<16xf32>
        %swap3A_382 = arith.index_cast %scan3A_275 : i32 to index
        %swap3A_383 = arith.constant 112 : index
        %swap3A_384 = tpu.vector_load %arg23[%swap3A_382, %swap3A_383] {strides = array<i32>} : memref<64x128xf32, #tpu.memory_space<vmem>>, vector<1x16xf32>,
        %swap3A_385 = vector.shape_cast %swap3A_384 : vector<1x16xf32> to vector<16xf32>
        %swap3A_386 = vector.shape_cast %add3A_381 : vector<16xf32> to vector<1x16xf32>
        tpu.vector_store %arg23[%swap3A_382, %swap3A_383], %swap3A_386 {strides = array<i32>} : memref<64x128xf32, #tpu.memory_space<vmem>>, vector<1x16xf32>,
        %scan3A_387 = arith.constant 0 : i32
        scf.yield %scan3A_387 : i32
      }
      %scan3A_138 = arith.constant 64 : i32
      %mul3A_139 = arith.constant 64 : i32
      %mul3A_140 = arith.muli %add3A_114, %mul3A_139 : i32
      %add3A_141 = arith.addi %mul3A_2, %mul3A_140 : i32
      %dma_start3A_142 = arith.constant 0 : i32
      %dma_start3A_143 = tpu.memref_slice %arg6[%add3A_141, %dma_start3A_142] : memref<409600x128xf32, #tpu.memory_space<hbm>> -> memref<64x128xf32, #tpu.memory_space<hbm>>
      %dma_start3A_144 = arith.constant 0 : i32
      %dma_start3A_145 = tpu.memref_slice %arg6[%add3A_141, %dma_start3A_144] : memref<409600x128xf32, #tpu.memory_space<hbm>> -> memref<64x128xf32, #tpu.memory_space<hbm>>
      tpu.enqueue_dma source(%arg23 : memref<64x128xf32, #tpu.memory_space<vmem>>) target(%dma_start3A_145 : memref<64x128xf32, #tpu.memory_space<hbm>>) target_semaphore(%arg44 : memref<!tpu.dma_semaphore, #tpu.memory_space<semaphore_mem>>)
      %lt3A_146 = arith.constant 200 : i32
      %lt3A_147 = arith.cmpi slt, %add3A_116, %lt3A_146 : i32
      %convert_element_type3A_148 = arith.extui %lt3A_147 : i1 to i32
      %cond3A_149 = arith.constant 0 : i32
      %cond3A_150 = arith.cmpi ne, %convert_element_type3A_148, %cond3A_149 : i32
      scf.if %cond3A_150 {
        %mul3A_275 = arith.constant 64 : i32
        %mul3A_276 = arith.muli %add3A_116, %mul3A_275 : i32
        %add3A_277 = arith.addi %mul3A_2, %mul3A_276 : i32
        %dma_wait3A_278 = tpu.memref_slice %arg2[%add3A_277] : memref<409600xi32, #tpu.memory_space<hbm>> -> memref<64xi32, #tpu.memory_space<hbm>>
        %dma_wait3A_279 = tpu.memref_slice %arg2[%add3A_277] : memref<409600xi32, #tpu.memory_space<hbm>> -> memref<64xi32, #tpu.memory_space<hbm>>
        tpu.wait_dma2 semaphore(%arg28 : memref<!tpu.dma_semaphore, #tpu.memory_space<semaphore_mem>>) src(%dma_wait3A_279 : memref<64xi32, #tpu.memory_space<hbm>>) dst(%arg7 : memref<64xi32, #tpu.memory_space<vmem>>)
        %dma_wait3A_280 = tpu.memref_slice %arg3[%add3A_277] : memref<409600xi32, #tpu.memory_space<hbm>> -> memref<64xi32, #tpu.memory_space<hbm>>
        %dma_wait3A_281 = tpu.memref_slice %arg3[%add3A_277] : memref<409600xi32, #tpu.memory_space<hbm>> -> memref<64xi32, #tpu.memory_space<hbm>>
        tpu.wait_dma2 semaphore(%arg32 : memref<!tpu.dma_semaphore, #tpu.memory_space<semaphore_mem>>) src(%dma_wait3A_281 : memref<64xi32, #tpu.memory_space<hbm>>) dst(%arg11 : memref<64xi32, #tpu.memory_space<vmem>>)
        %dma_start3A_282 = arith.constant 0 : i32
        %dma_start3A_283 = arith.constant 0 : i32
        %dma_start3A_284 = tpu.memref_slice %arg4[%dma_start3A_282, %dma_start3A_283] : memref<100000x128xf32, #tpu.memory_space<hbm>> -> memref<100000x128xf32, #tpu.memory_space<hbm>>
        tpu.enqueue_indirect_dma source(%dma_start3A_284 : memref<100000x128xf32, #tpu.memory_space<hbm>>) target(%arg15 : memref<64x128xf32, #tpu.memory_space<vmem>>) offsets(%arg7 : memref<64xi32, #tpu.memory_space<vmem>>) semaphore(%arg36 : memref<!tpu.dma_semaphore, #tpu.memory_space<semaphore_mem>>)
        %dma_start3A_285 = arith.constant 0 : i32
        %dma_start3A_286 = arith.constant 0 : i32
        %dma_start3A_287 = tpu.memref_slice %arg27[%dma_start3A_285, %dma_start3A_286] : memref<1000x128xf32, #tpu.memory_space<vmem_shared>> -> memref<1000x128xf32, #tpu.memory_space<vmem_shared>>
        tpu.enqueue_indirect_dma source(%dma_start3A_287 : memref<1000x128xf32, #tpu.memory_space<vmem_shared>>) target(%arg19 : memref<64x128xf32, #tpu.memory_space<vmem>>) offsets(%arg11 : memref<64xi32, #tpu.memory_space<vmem>>) semaphore(%arg40 : memref<!tpu.dma_semaphore, #tpu.memory_space<semaphore_mem>>)
      } else {
      }
      %mul3A_151 = arith.constant 4 : i32
      %mul3A_152 = arith.muli %scan3A_109, %mul3A_151 : i32
      %add3A_153 = arith.constant 1 : i32
      %add3A_154 = arith.addi %mul3A_152, %add3A_153 : i32
      %add3A_155 = arith.constant 4 : i32
      %add3A_156 = arith.addi %add3A_154, %add3A_155 : i32
      %dma_wait3A_157 = arith.constant 0 : i32
      %dma_wait3A_158 = arith.constant 0 : i32
      %dma_wait3A_159 = tpu.memref_slice %arg4[%dma_wait3A_157, %dma_wait3A_158] : memref<100000x128xf32, #tpu.memory_space<hbm>> -> memref<100000x128xf32, #tpu.memory_space<hbm>>
      tpu.wait_indirect_dma semaphore(%arg37 : memref<!tpu.dma_semaphore, #tpu.memory_space<semaphore_mem>>) src(%dma_wait3A_159 : memref<100000x128xf32, #tpu.memory_space<hbm>>) dst(%arg16 : memref<64x128xf32, #tpu.memory_space<vmem>>)
      %dma_wait3A_160 = arith.constant 0 : i32
      %dma_wait3A_161 = arith.constant 0 : i32
      %dma_wait3A_162 = tpu.memref_slice %arg27[%dma_wait3A_160, %dma_wait3A_161] : memref<1000x128xf32, #tpu.memory_space<vmem_shared>> -> memref<1000x128xf32, #tpu.memory_space<vmem_shared>>
      tpu.wait_indirect_dma semaphore(%arg41 : memref<!tpu.dma_semaphore, #tpu.memory_space<semaphore_mem>>) src(%dma_wait3A_162 : memref<1000x128xf32, #tpu.memory_space<vmem_shared>>) dst(%arg20 : memref<64x128xf32, #tpu.memory_space<vmem>>)
      %lt3A_163 = arith.constant 200 : i32
      %lt3A_164 = arith.cmpi slt, %add3A_156, %lt3A_163 : i32
      %convert_element_type3A_165 = arith.extui %lt3A_164 : i1 to i32
      %cond3A_166 = arith.constant 0 : i32
      %cond3A_167 = arith.cmpi ne, %convert_element_type3A_165, %cond3A_166 : i32
      scf.if %cond3A_167 {
        %mul3A_275 = arith.constant 64 : i32
        %mul3A_276 = arith.muli %add3A_156, %mul3A_275 : i32
        %add3A_277 = arith.addi %mul3A_2, %mul3A_276 : i32
        %dma_start3A_278 = tpu.memref_slice %arg2[%add3A_277] : memref<409600xi32, #tpu.memory_space<hbm>> -> memref<64xi32, #tpu.memory_space<hbm>>
        %dma_start3A_279 = tpu.memref_slice %arg2[%add3A_277] : memref<409600xi32, #tpu.memory_space<hbm>> -> memref<64xi32, #tpu.memory_space<hbm>>
        tpu.enqueue_dma source(%dma_start3A_279 : memref<64xi32, #tpu.memory_space<hbm>>) target(%arg8 : memref<64xi32, #tpu.memory_space<vmem>>) target_semaphore(%arg29 : memref<!tpu.dma_semaphore, #tpu.memory_space<semaphore_mem>>)
        %dma_start3A_280 = tpu.memref_slice %arg3[%add3A_277] : memref<409600xi32, #tpu.memory_space<hbm>> -> memref<64xi32, #tpu.memory_space<hbm>>
        %dma_start3A_281 = tpu.memref_slice %arg3[%add3A_277] : memref<409600xi32, #tpu.memory_space<hbm>> -> memref<64xi32, #tpu.memory_space<hbm>>
        tpu.enqueue_dma source(%dma_start3A_281 : memref<64xi32, #tpu.memory_space<hbm>>) target(%arg12 : memref<64xi32, #tpu.memory_space<vmem>>) target_semaphore(%arg33 : memref<!tpu.dma_semaphore, #tpu.memory_space<semaphore_mem>>)
      } else {
      }
      %ge3A_168 = arith.constant 4 : i32
      %ge3A_169 = arith.cmpi sge, %add3A_154, %ge3A_168 : i32
      %convert_element_type3A_170 = arith.extui %ge3A_169 : i1 to i32
      %cond3A_171 = arith.constant 0 : i32
      %cond3A_172 = arith.cmpi ne, %convert_element_type3A_170, %cond3A_171 : i32
      scf.if %cond3A_172 {
        %sub3A = arith.constant 4 : i32
        %sub3A_275 = arith.subi %add3A_154, %sub3A : i32
        %mul3A_276 = arith.constant 64 : i32
        %mul3A_277 = arith.muli %sub3A_275, %mul3A_276 : i32
        %add3A_278 = arith.addi %mul3A_2, %mul3A_277 : i32
        %dma_wait3A_279 = arith.constant 0 : i32
        %dma_wait3A_280 = tpu.memref_slice %arg6[%add3A_278, %dma_wait3A_279] : memref<409600x128xf32, #tpu.memory_space<hbm>> -> memref<64x128xf32, #tpu.memory_space<hbm>>
        %dma_wait3A_281 = arith.constant 0 : i32
        %dma_wait3A_282 = tpu.memref_slice %arg6[%add3A_278, %dma_wait3A_281] : memref<409600x128xf32, #tpu.memory_space<hbm>> -> memref<64x128xf32, #tpu.memory_space<hbm>>
        tpu.wait_dma2 semaphore(%arg45 : memref<!tpu.dma_semaphore, #tpu.memory_space<semaphore_mem>>) src(%arg24 : memref<64x128xf32, #tpu.memory_space<vmem>>) dst(%dma_wait3A_282 : memref<64x128xf32, #tpu.memory_space<hbm>>)
      } else {
      }
      %scan3A_173 = arith.constant 0 : i32
      %scan3A_174 = arith.constant 0 : i32
      %scan3A_175 = arith.constant 64 : i32
      %scan3A_176 = arith.addi %scan3A_174, %scan3A_175 : i32
      %scan3A_177 = arith.constant 1 : i32
      %scan3A_178 = scf.for %scan3A_275 = %scan3A_174 to %scan3A_176 step %scan3A_177 iter_args(%scan3A_276 = %scan3A_173) -> (i32)  : i32 {
        %get3A = arith.index_cast %scan3A_275 : i32 to index
        %get3A_277 = arith.constant 0 : index
        %get3A_278 = tpu.vector_load %arg16[%get3A, %get3A_277] {strides = array<i32>} : memref<64x128xf32, #tpu.memory_space<vmem>>, vector<1x16xf32>,
        %get3A_279 = vector.shape_cast %get3A_278 : vector<1x16xf32> to vector<16xf32>
        %get3A_280 = arith.index_cast %scan3A_275 : i32 to index
        %get3A_281 = arith.constant 0 : index
        %get3A_282 = tpu.vector_load %arg20[%get3A_280, %get3A_281] {strides = array<i32>} : memref<64x128xf32, #tpu.memory_space<vmem>>, vector<1x16xf32>,
        %get3A_283 = vector.shape_cast %get3A_282 : vector<1x16xf32> to vector<16xf32>
        %add3A_284 = arith.addf %get3A_279, %get3A_283 : vector<16xf32>
        %swap3A = arith.index_cast %scan3A_275 : i32 to index
        %swap3A_285 = arith.constant 0 : index
        %swap3A_286 = tpu.vector_load %arg24[%swap3A, %swap3A_285] {strides = array<i32>} : memref<64x128xf32, #tpu.memory_space<vmem>>, vector<1x16xf32>,
        %swap3A_287 = vector.shape_cast %swap3A_286 : vector<1x16xf32> to vector<16xf32>
        %swap3A_288 = vector.shape_cast %add3A_284 : vector<16xf32> to vector<1x16xf32>
        tpu.vector_store %arg24[%swap3A, %swap3A_285], %swap3A_288 {strides = array<i32>} : memref<64x128xf32, #tpu.memory_space<vmem>>, vector<1x16xf32>,
        %get3A_289 = arith.index_cast %scan3A_275 : i32 to index
        %get3A_290 = arith.constant 16 : index
        %get3A_291 = tpu.vector_load %arg16[%get3A_289, %get3A_290] {strides = array<i32>} : memref<64x128xf32, #tpu.memory_space<vmem>>, vector<1x16xf32>,
        %get3A_292 = vector.shape_cast %get3A_291 : vector<1x16xf32> to vector<16xf32>
        %get3A_293 = arith.index_cast %scan3A_275 : i32 to index
        %get3A_294 = arith.constant 16 : index
        %get3A_295 = tpu.vector_load %arg20[%get3A_293, %get3A_294] {strides = array<i32>} : memref<64x128xf32, #tpu.memory_space<vmem>>, vector<1x16xf32>,
        %get3A_296 = vector.shape_cast %get3A_295 : vector<1x16xf32> to vector<16xf32>
        %add3A_297 = arith.addf %get3A_292, %get3A_296 : vector<16xf32>
        %swap3A_298 = arith.index_cast %scan3A_275 : i32 to index
        %swap3A_299 = arith.constant 16 : index
        %swap3A_300 = tpu.vector_load %arg24[%swap3A_298, %swap3A_299] {strides = array<i32>} : memref<64x128xf32, #tpu.memory_space<vmem>>, vector<1x16xf32>,
        %swap3A_301 = vector.shape_cast %swap3A_300 : vector<1x16xf32> to vector<16xf32>
        %swap3A_302 = vector.shape_cast %add3A_297 : vector<16xf32> to vector<1x16xf32>
        tpu.vector_store %arg24[%swap3A_298, %swap3A_299], %swap3A_302 {strides = array<i32>} : memref<64x128xf32, #tpu.memory_space<vmem>>, vector<1x16xf32>,
        %get3A_303 = arith.index_cast %scan3A_275 : i32 to index
        %get3A_304 = arith.constant 32 : index
        %get3A_305 = tpu.vector_load %arg16[%get3A_303, %get3A_304] {strides = array<i32>} : memref<64x128xf32, #tpu.memory_space<vmem>>, vector<1x16xf32>,
        %get3A_306 = vector.shape_cast %get3A_305 : vector<1x16xf32> to vector<16xf32>
        %get3A_307 = arith.index_cast %scan3A_275 : i32 to index
        %get3A_308 = arith.constant 32 : index
        %get3A_309 = tpu.vector_load %arg20[%get3A_307, %get3A_308] {strides = array<i32>} : memref<64x128xf32, #tpu.memory_space<vmem>>, vector<1x16xf32>,
        %get3A_310 = vector.shape_cast %get3A_309 : vector<1x16xf32> to vector<16xf32>
        %add3A_311 = arith.addf %get3A_306, %get3A_310 : vector<16xf32>
        %swap3A_312 = arith.index_cast %scan3A_275 : i32 to index
        %swap3A_313 = arith.constant 32 : index
        %swap3A_314 = tpu.vector_load %arg24[%swap3A_312, %swap3A_313] {strides = array<i32>} : memref<64x128xf32, #tpu.memory_space<vmem>>, vector<1x16xf32>,
        %swap3A_315 = vector.shape_cast %swap3A_314 : vector<1x16xf32> to vector<16xf32>
        %swap3A_316 = vector.shape_cast %add3A_311 : vector<16xf32> to vector<1x16xf32>
        tpu.vector_store %arg24[%swap3A_312, %swap3A_313], %swap3A_316 {strides = array<i32>} : memref<64x128xf32, #tpu.memory_space<vmem>>, vector<1x16xf32>,
        %get3A_317 = arith.index_cast %scan3A_275 : i32 to index
        %get3A_318 = arith.constant 48 : index
        %get3A_319 = tpu.vector_load %arg16[%get3A_317, %get3A_318] {strides = array<i32>} : memref<64x128xf32, #tpu.memory_space<vmem>>, vector<1x16xf32>,
        %get3A_320 = vector.shape_cast %get3A_319 : vector<1x16xf32> to vector<16xf32>
        %get3A_321 = arith.index_cast %scan3A_275 : i32 to index
        %get3A_322 = arith.constant 48 : index
        %get3A_323 = tpu.vector_load %arg20[%get3A_321, %get3A_322] {strides = array<i32>} : memref<64x128xf32, #tpu.memory_space<vmem>>, vector<1x16xf32>,
        %get3A_324 = vector.shape_cast %get3A_323 : vector<1x16xf32> to vector<16xf32>
        %add3A_325 = arith.addf %get3A_320, %get3A_324 : vector<16xf32>
        %swap3A_326 = arith.index_cast %scan3A_275 : i32 to index
        %swap3A_327 = arith.constant 48 : index
        %swap3A_328 = tpu.vector_load %arg24[%swap3A_326, %swap3A_327] {strides = array<i32>} : memref<64x128xf32, #tpu.memory_space<vmem>>, vector<1x16xf32>,
        %swap3A_329 = vector.shape_cast %swap3A_328 : vector<1x16xf32> to vector<16xf32>
        %swap3A_330 = vector.shape_cast %add3A_325 : vector<16xf32> to vector<1x16xf32>
        tpu.vector_store %arg24[%swap3A_326, %swap3A_327], %swap3A_330 {strides = array<i32>} : memref<64x128xf32, #tpu.memory_space<vmem>>, vector<1x16xf32>,
        %get3A_331 = arith.index_cast %scan3A_275 : i32 to index
        %get3A_332 = arith.constant 64 : index
        %get3A_333 = tpu.vector_load %arg16[%get3A_331, %get3A_332] {strides = array<i32>} : memref<64x128xf32, #tpu.memory_space<vmem>>, vector<1x16xf32>,
        %get3A_334 = vector.shape_cast %get3A_333 : vector<1x16xf32> to vector<16xf32>
        %get3A_335 = arith.index_cast %scan3A_275 : i32 to index
        %get3A_336 = arith.constant 64 : index
        %get3A_337 = tpu.vector_load %arg20[%get3A_335, %get3A_336] {strides = array<i32>} : memref<64x128xf32, #tpu.memory_space<vmem>>, vector<1x16xf32>,
        %get3A_338 = vector.shape_cast %get3A_337 : vector<1x16xf32> to vector<16xf32>
        %add3A_339 = arith.addf %get3A_334, %get3A_338 : vector<16xf32>
        %swap3A_340 = arith.index_cast %scan3A_275 : i32 to index
        %swap3A_341 = arith.constant 64 : index
        %swap3A_342 = tpu.vector_load %arg24[%swap3A_340, %swap3A_341] {strides = array<i32>} : memref<64x128xf32, #tpu.memory_space<vmem>>, vector<1x16xf32>,
        %swap3A_343 = vector.shape_cast %swap3A_342 : vector<1x16xf32> to vector<16xf32>
        %swap3A_344 = vector.shape_cast %add3A_339 : vector<16xf32> to vector<1x16xf32>
        tpu.vector_store %arg24[%swap3A_340, %swap3A_341], %swap3A_344 {strides = array<i32>} : memref<64x128xf32, #tpu.memory_space<vmem>>, vector<1x16xf32>,
        %get3A_345 = arith.index_cast %scan3A_275 : i32 to index
        %get3A_346 = arith.constant 80 : index
        %get3A_347 = tpu.vector_load %arg16[%get3A_345, %get3A_346] {strides = array<i32>} : memref<64x128xf32, #tpu.memory_space<vmem>>, vector<1x16xf32>,
        %get3A_348 = vector.shape_cast %get3A_347 : vector<1x16xf32> to vector<16xf32>
        %get3A_349 = arith.index_cast %scan3A_275 : i32 to index
        %get3A_350 = arith.constant 80 : index
        %get3A_351 = tpu.vector_load %arg20[%get3A_349, %get3A_350] {strides = array<i32>} : memref<64x128xf32, #tpu.memory_space<vmem>>, vector<1x16xf32>,
        %get3A_352 = vector.shape_cast %get3A_351 : vector<1x16xf32> to vector<16xf32>
        %add3A_353 = arith.addf %get3A_348, %get3A_352 : vector<16xf32>
        %swap3A_354 = arith.index_cast %scan3A_275 : i32 to index
        %swap3A_355 = arith.constant 80 : index
        %swap3A_356 = tpu.vector_load %arg24[%swap3A_354, %swap3A_355] {strides = array<i32>} : memref<64x128xf32, #tpu.memory_space<vmem>>, vector<1x16xf32>,
        %swap3A_357 = vector.shape_cast %swap3A_356 : vector<1x16xf32> to vector<16xf32>
        %swap3A_358 = vector.shape_cast %add3A_353 : vector<16xf32> to vector<1x16xf32>
        tpu.vector_store %arg24[%swap3A_354, %swap3A_355], %swap3A_358 {strides = array<i32>} : memref<64x128xf32, #tpu.memory_space<vmem>>, vector<1x16xf32>,
        %get3A_359 = arith.index_cast %scan3A_275 : i32 to index
        %get3A_360 = arith.constant 96 : index
        %get3A_361 = tpu.vector_load %arg16[%get3A_359, %get3A_360] {strides = array<i32>} : memref<64x128xf32, #tpu.memory_space<vmem>>, vector<1x16xf32>,
        %get3A_362 = vector.shape_cast %get3A_361 : vector<1x16xf32> to vector<16xf32>
        %get3A_363 = arith.index_cast %scan3A_275 : i32 to index
        %get3A_364 = arith.constant 96 : index
        %get3A_365 = tpu.vector_load %arg20[%get3A_363, %get3A_364] {strides = array<i32>} : memref<64x128xf32, #tpu.memory_space<vmem>>, vector<1x16xf32>,
        %get3A_366 = vector.shape_cast %get3A_365 : vector<1x16xf32> to vector<16xf32>
        %add3A_367 = arith.addf %get3A_362, %get3A_366 : vector<16xf32>
        %swap3A_368 = arith.index_cast %scan3A_275 : i32 to index
        %swap3A_369 = arith.constant 96 : index
        %swap3A_370 = tpu.vector_load %arg24[%swap3A_368, %swap3A_369] {strides = array<i32>} : memref<64x128xf32, #tpu.memory_space<vmem>>, vector<1x16xf32>,
        %swap3A_371 = vector.shape_cast %swap3A_370 : vector<1x16xf32> to vector<16xf32>
        %swap3A_372 = vector.shape_cast %add3A_367 : vector<16xf32> to vector<1x16xf32>
        tpu.vector_store %arg24[%swap3A_368, %swap3A_369], %swap3A_372 {strides = array<i32>} : memref<64x128xf32, #tpu.memory_space<vmem>>, vector<1x16xf32>,
        %get3A_373 = arith.index_cast %scan3A_275 : i32 to index
        %get3A_374 = arith.constant 112 : index
        %get3A_375 = tpu.vector_load %arg16[%get3A_373, %get3A_374] {strides = array<i32>} : memref<64x128xf32, #tpu.memory_space<vmem>>, vector<1x16xf32>,
        %get3A_376 = vector.shape_cast %get3A_375 : vector<1x16xf32> to vector<16xf32>
        %get3A_377 = arith.index_cast %scan3A_275 : i32 to index
        %get3A_378 = arith.constant 112 : index
        %get3A_379 = tpu.vector_load %arg20[%get3A_377, %get3A_378] {strides = array<i32>} : memref<64x128xf32, #tpu.memory_space<vmem>>, vector<1x16xf32>,
        %get3A_380 = vector.shape_cast %get3A_379 : vector<1x16xf32> to vector<16xf32>
        %add3A_381 = arith.addf %get3A_376, %get3A_380 : vector<16xf32>
        %swap3A_382 = arith.index_cast %scan3A_275 : i32 to index
        %swap3A_383 = arith.constant 112 : index
        %swap3A_384 = tpu.vector_load %arg24[%swap3A_382, %swap3A_383] {strides = array<i32>} : memref<64x128xf32, #tpu.memory_space<vmem>>, vector<1x16xf32>,
        %swap3A_385 = vector.shape_cast %swap3A_384 : vector<1x16xf32> to vector<16xf32>
        %swap3A_386 = vector.shape_cast %add3A_381 : vector<16xf32> to vector<1x16xf32>
        tpu.vector_store %arg24[%swap3A_382, %swap3A_383], %swap3A_386 {strides = array<i32>} : memref<64x128xf32, #tpu.memory_space<vmem>>, vector<1x16xf32>,
        %scan3A_387 = arith.constant 0 : i32
        scf.yield %scan3A_387 : i32
      }
      %scan3A_179 = arith.constant 64 : i32
      %mul3A_180 = arith.constant 64 : i32
      %mul3A_181 = arith.muli %add3A_154, %mul3A_180 : i32
      %add3A_182 = arith.addi %mul3A_2, %mul3A_181 : i32
      %dma_start3A_183 = arith.constant 0 : i32
      %dma_start3A_184 = tpu.memref_slice %arg6[%add3A_182, %dma_start3A_183] : memref<409600x128xf32, #tpu.memory_space<hbm>> -> memref<64x128xf32, #tpu.memory_space<hbm>>
      %dma_start3A_185 = arith.constant 0 : i32
      %dma_start3A_186 = tpu.memref_slice %arg6[%add3A_182, %dma_start3A_185] : memref<409600x128xf32, #tpu.memory_space<hbm>> -> memref<64x128xf32, #tpu.memory_space<hbm>>
      tpu.enqueue_dma source(%arg24 : memref<64x128xf32, #tpu.memory_space<vmem>>) target(%dma_start3A_186 : memref<64x128xf32, #tpu.memory_space<hbm>>) target_semaphore(%arg45 : memref<!tpu.dma_semaphore, #tpu.memory_space<semaphore_mem>>)
      %lt3A_187 = arith.constant 200 : i32
      %lt3A_188 = arith.cmpi slt, %add3A_156, %lt3A_187 : i32
      %convert_element_type3A_189 = arith.extui %lt3A_188 : i1 to i32
      %cond3A_190 = arith.constant 0 : i32
      %cond3A_191 = arith.cmpi ne, %convert_element_type3A_189, %cond3A_190 : i32
      scf.if %cond3A_191 {
        %mul3A_275 = arith.constant 64 : i32
        %mul3A_276 = arith.muli %add3A_156, %mul3A_275 : i32
        %add3A_277 = arith.addi %mul3A_2, %mul3A_276 : i32
        %dma_wait3A_278 = tpu.memref_slice %arg2[%add3A_277] : memref<409600xi32, #tpu.memory_space<hbm>> -> memref<64xi32, #tpu.memory_space<hbm>>
        %dma_wait3A_279 = tpu.memref_slice %arg2[%add3A_277] : memref<409600xi32, #tpu.memory_space<hbm>> -> memref<64xi32, #tpu.memory_space<hbm>>
        tpu.wait_dma2 semaphore(%arg29 : memref<!tpu.dma_semaphore, #tpu.memory_space<semaphore_mem>>) src(%dma_wait3A_279 : memref<64xi32, #tpu.memory_space<hbm>>) dst(%arg8 : memref<64xi32, #tpu.memory_space<vmem>>)
        %dma_wait3A_280 = tpu.memref_slice %arg3[%add3A_277] : memref<409600xi32, #tpu.memory_space<hbm>> -> memref<64xi32, #tpu.memory_space<hbm>>
        %dma_wait3A_281 = tpu.memref_slice %arg3[%add3A_277] : memref<409600xi32, #tpu.memory_space<hbm>> -> memref<64xi32, #tpu.memory_space<hbm>>
        tpu.wait_dma2 semaphore(%arg33 : memref<!tpu.dma_semaphore, #tpu.memory_space<semaphore_mem>>) src(%dma_wait3A_281 : memref<64xi32, #tpu.memory_space<hbm>>) dst(%arg12 : memref<64xi32, #tpu.memory_space<vmem>>)
        %dma_start3A_282 = arith.constant 0 : i32
        %dma_start3A_283 = arith.constant 0 : i32
        %dma_start3A_284 = tpu.memref_slice %arg4[%dma_start3A_282, %dma_start3A_283] : memref<100000x128xf32, #tpu.memory_space<hbm>> -> memref<100000x128xf32, #tpu.memory_space<hbm>>
        tpu.enqueue_indirect_dma source(%dma_start3A_284 : memref<100000x128xf32, #tpu.memory_space<hbm>>) target(%arg16 : memref<64x128xf32, #tpu.memory_space<vmem>>) offsets(%arg8 : memref<64xi32, #tpu.memory_space<vmem>>) semaphore(%arg37 : memref<!tpu.dma_semaphore, #tpu.memory_space<semaphore_mem>>)
        %dma_start3A_285 = arith.constant 0 : i32
        %dma_start3A_286 = arith.constant 0 : i32
        %dma_start3A_287 = tpu.memref_slice %arg27[%dma_start3A_285, %dma_start3A_286] : memref<1000x128xf32, #tpu.memory_space<vmem_shared>> -> memref<1000x128xf32, #tpu.memory_space<vmem_shared>>
        tpu.enqueue_indirect_dma source(%dma_start3A_287 : memref<1000x128xf32, #tpu.memory_space<vmem_shared>>) target(%arg20 : memref<64x128xf32, #tpu.memory_space<vmem>>) offsets(%arg12 : memref<64xi32, #tpu.memory_space<vmem>>) semaphore(%arg41 : memref<!tpu.dma_semaphore, #tpu.memory_space<semaphore_mem>>)
      } else {
      }
      %mul3A_192 = arith.constant 4 : i32
      %mul3A_193 = arith.muli %scan3A_109, %mul3A_192 : i32
      %add3A_194 = arith.constant 2 : i32
      %add3A_195 = arith.addi %mul3A_193, %add3A_194 : i32
      %add3A_196 = arith.constant 4 : i32
      %add3A_197 = arith.addi %add3A_195, %add3A_196 : i32
      %dma_wait3A_198 = arith.constant 0 : i32
      %dma_wait3A_199 = arith.constant 0 : i32
      %dma_wait3A_200 = tpu.memref_slice %arg4[%dma_wait3A_198, %dma_wait3A_199] : memref<100000x128xf32, #tpu.memory_space<hbm>> -> memref<100000x128xf32, #tpu.memory_space<hbm>>
      tpu.wait_indirect_dma semaphore(%arg38 : memref<!tpu.dma_semaphore, #tpu.memory_space<semaphore_mem>>) src(%dma_wait3A_200 : memref<100000x128xf32, #tpu.memory_space<hbm>>) dst(%arg17 : memref<64x128xf32, #tpu.memory_space<vmem>>)
      %dma_wait3A_201 = arith.constant 0 : i32
      %dma_wait3A_202 = arith.constant 0 : i32
      %dma_wait3A_203 = tpu.memref_slice %arg27[%dma_wait3A_201, %dma_wait3A_202] : memref<1000x128xf32, #tpu.memory_space<vmem_shared>> -> memref<1000x128xf32, #tpu.memory_space<vmem_shared>>
      tpu.wait_indirect_dma semaphore(%arg42 : memref<!tpu.dma_semaphore, #tpu.memory_space<semaphore_mem>>) src(%dma_wait3A_203 : memref<1000x128xf32, #tpu.memory_space<vmem_shared>>) dst(%arg21 : memref<64x128xf32, #tpu.memory_space<vmem>>)
      %lt3A_204 = arith.constant 200 : i32
      %lt3A_205 = arith.cmpi slt, %add3A_197, %lt3A_204 : i32
      %convert_element_type3A_206 = arith.extui %lt3A_205 : i1 to i32
      %cond3A_207 = arith.constant 0 : i32
      %cond3A_208 = arith.cmpi ne, %convert_element_type3A_206, %cond3A_207 : i32
      scf.if %cond3A_208 {
        %mul3A_275 = arith.constant 64 : i32
        %mul3A_276 = arith.muli %add3A_197, %mul3A_275 : i32
        %add3A_277 = arith.addi %mul3A_2, %mul3A_276 : i32
        %dma_start3A_278 = tpu.memref_slice %arg2[%add3A_277] : memref<409600xi32, #tpu.memory_space<hbm>> -> memref<64xi32, #tpu.memory_space<hbm>>
        %dma_start3A_279 = tpu.memref_slice %arg2[%add3A_277] : memref<409600xi32, #tpu.memory_space<hbm>> -> memref<64xi32, #tpu.memory_space<hbm>>
        tpu.enqueue_dma source(%dma_start3A_279 : memref<64xi32, #tpu.memory_space<hbm>>) target(%arg9 : memref<64xi32, #tpu.memory_space<vmem>>) target_semaphore(%arg30 : memref<!tpu.dma_semaphore, #tpu.memory_space<semaphore_mem>>)
        %dma_start3A_280 = tpu.memref_slice %arg3[%add3A_277] : memref<409600xi32, #tpu.memory_space<hbm>> -> memref<64xi32, #tpu.memory_space<hbm>>
        %dma_start3A_281 = tpu.memref_slice %arg3[%add3A_277] : memref<409600xi32, #tpu.memory_space<hbm>> -> memref<64xi32, #tpu.memory_space<hbm>>
        tpu.enqueue_dma source(%dma_start3A_281 : memref<64xi32, #tpu.memory_space<hbm>>) target(%arg13 : memref<64xi32, #tpu.memory_space<vmem>>) target_semaphore(%arg34 : memref<!tpu.dma_semaphore, #tpu.memory_space<semaphore_mem>>)
      } else {
      }
      %ge3A_209 = arith.constant 4 : i32
      %ge3A_210 = arith.cmpi sge, %add3A_195, %ge3A_209 : i32
      %convert_element_type3A_211 = arith.extui %ge3A_210 : i1 to i32
      %cond3A_212 = arith.constant 0 : i32
      %cond3A_213 = arith.cmpi ne, %convert_element_type3A_211, %cond3A_212 : i32
      scf.if %cond3A_213 {
        %sub3A = arith.constant 4 : i32
        %sub3A_275 = arith.subi %add3A_195, %sub3A : i32
        %mul3A_276 = arith.constant 64 : i32
        %mul3A_277 = arith.muli %sub3A_275, %mul3A_276 : i32
        %add3A_278 = arith.addi %mul3A_2, %mul3A_277 : i32
        %dma_wait3A_279 = arith.constant 0 : i32
        %dma_wait3A_280 = tpu.memref_slice %arg6[%add3A_278, %dma_wait3A_279] : memref<409600x128xf32, #tpu.memory_space<hbm>> -> memref<64x128xf32, #tpu.memory_space<hbm>>
        %dma_wait3A_281 = arith.constant 0 : i32
        %dma_wait3A_282 = tpu.memref_slice %arg6[%add3A_278, %dma_wait3A_281] : memref<409600x128xf32, #tpu.memory_space<hbm>> -> memref<64x128xf32, #tpu.memory_space<hbm>>
        tpu.wait_dma2 semaphore(%arg46 : memref<!tpu.dma_semaphore, #tpu.memory_space<semaphore_mem>>) src(%arg25 : memref<64x128xf32, #tpu.memory_space<vmem>>) dst(%dma_wait3A_282 : memref<64x128xf32, #tpu.memory_space<hbm>>)
      } else {
      }
      %scan3A_214 = arith.constant 0 : i32
      %scan3A_215 = arith.constant 0 : i32
      %scan3A_216 = arith.constant 64 : i32
      %scan3A_217 = arith.addi %scan3A_215, %scan3A_216 : i32
      %scan3A_218 = arith.constant 1 : i32
      %scan3A_219 = scf.for %scan3A_275 = %scan3A_215 to %scan3A_217 step %scan3A_218 iter_args(%scan3A_276 = %scan3A_214) -> (i32)  : i32 {
        %get3A = arith.index_cast %scan3A_275 : i32 to index
        %get3A_277 = arith.constant 0 : index
        %get3A_278 = tpu.vector_load %arg17[%get3A, %get3A_277] {strides = array<i32>} : memref<64x128xf32, #tpu.memory_space<vmem>>, vector<1x16xf32>,
        %get3A_279 = vector.shape_cast %get3A_278 : vector<1x16xf32> to vector<16xf32>
        %get3A_280 = arith.index_cast %scan3A_275 : i32 to index
        %get3A_281 = arith.constant 0 : index
        %get3A_282 = tpu.vector_load %arg21[%get3A_280, %get3A_281] {strides = array<i32>} : memref<64x128xf32, #tpu.memory_space<vmem>>, vector<1x16xf32>,
        %get3A_283 = vector.shape_cast %get3A_282 : vector<1x16xf32> to vector<16xf32>
        %add3A_284 = arith.addf %get3A_279, %get3A_283 : vector<16xf32>
        %swap3A = arith.index_cast %scan3A_275 : i32 to index
        %swap3A_285 = arith.constant 0 : index
        %swap3A_286 = tpu.vector_load %arg25[%swap3A, %swap3A_285] {strides = array<i32>} : memref<64x128xf32, #tpu.memory_space<vmem>>, vector<1x16xf32>,
        %swap3A_287 = vector.shape_cast %swap3A_286 : vector<1x16xf32> to vector<16xf32>
        %swap3A_288 = vector.shape_cast %add3A_284 : vector<16xf32> to vector<1x16xf32>
        tpu.vector_store %arg25[%swap3A, %swap3A_285], %swap3A_288 {strides = array<i32>} : memref<64x128xf32, #tpu.memory_space<vmem>>, vector<1x16xf32>,
        %get3A_289 = arith.index_cast %scan3A_275 : i32 to index
        %get3A_290 = arith.constant 16 : index
        %get3A_291 = tpu.vector_load %arg17[%get3A_289, %get3A_290] {strides = array<i32>} : memref<64x128xf32, #tpu.memory_space<vmem>>, vector<1x16xf32>,
        %get3A_292 = vector.shape_cast %get3A_291 : vector<1x16xf32> to vector<16xf32>
        %get3A_293 = arith.index_cast %scan3A_275 : i32 to index
        %get3A_294 = arith.constant 16 : index
        %get3A_295 = tpu.vector_load %arg21[%get3A_293, %get3A_294] {strides = array<i32>} : memref<64x128xf32, #tpu.memory_space<vmem>>, vector<1x16xf32>,
        %get3A_296 = vector.shape_cast %get3A_295 : vector<1x16xf32> to vector<16xf32>
        %add3A_297 = arith.addf %get3A_292, %get3A_296 : vector<16xf32>
        %swap3A_298 = arith.index_cast %scan3A_275 : i32 to index
        %swap3A_299 = arith.constant 16 : index
        %swap3A_300 = tpu.vector_load %arg25[%swap3A_298, %swap3A_299] {strides = array<i32>} : memref<64x128xf32, #tpu.memory_space<vmem>>, vector<1x16xf32>,
        %swap3A_301 = vector.shape_cast %swap3A_300 : vector<1x16xf32> to vector<16xf32>
        %swap3A_302 = vector.shape_cast %add3A_297 : vector<16xf32> to vector<1x16xf32>
        tpu.vector_store %arg25[%swap3A_298, %swap3A_299], %swap3A_302 {strides = array<i32>} : memref<64x128xf32, #tpu.memory_space<vmem>>, vector<1x16xf32>,
        %get3A_303 = arith.index_cast %scan3A_275 : i32 to index
        %get3A_304 = arith.constant 32 : index
        %get3A_305 = tpu.vector_load %arg17[%get3A_303, %get3A_304] {strides = array<i32>} : memref<64x128xf32, #tpu.memory_space<vmem>>, vector<1x16xf32>,
        %get3A_306 = vector.shape_cast %get3A_305 : vector<1x16xf32> to vector<16xf32>
        %get3A_307 = arith.index_cast %scan3A_275 : i32 to index
        %get3A_308 = arith.constant 32 : index
        %get3A_309 = tpu.vector_load %arg21[%get3A_307, %get3A_308] {strides = array<i32>} : memref<64x128xf32, #tpu.memory_space<vmem>>, vector<1x16xf32>,
        %get3A_310 = vector.shape_cast %get3A_309 : vector<1x16xf32> to vector<16xf32>
        %add3A_311 = arith.addf %get3A_306, %get3A_310 : vector<16xf32>
        %swap3A_312 = arith.index_cast %scan3A_275 : i32 to index
        %swap3A_313 = arith.constant 32 : index
        %swap3A_314 = tpu.vector_load %arg25[%swap3A_312, %swap3A_313] {strides = array<i32>} : memref<64x128xf32, #tpu.memory_space<vmem>>, vector<1x16xf32>,
        %swap3A_315 = vector.shape_cast %swap3A_314 : vector<1x16xf32> to vector<16xf32>
        %swap3A_316 = vector.shape_cast %add3A_311 : vector<16xf32> to vector<1x16xf32>
        tpu.vector_store %arg25[%swap3A_312, %swap3A_313], %swap3A_316 {strides = array<i32>} : memref<64x128xf32, #tpu.memory_space<vmem>>, vector<1x16xf32>,
        %get3A_317 = arith.index_cast %scan3A_275 : i32 to index
        %get3A_318 = arith.constant 48 : index
        %get3A_319 = tpu.vector_load %arg17[%get3A_317, %get3A_318] {strides = array<i32>} : memref<64x128xf32, #tpu.memory_space<vmem>>, vector<1x16xf32>,
        %get3A_320 = vector.shape_cast %get3A_319 : vector<1x16xf32> to vector<16xf32>
        %get3A_321 = arith.index_cast %scan3A_275 : i32 to index
        %get3A_322 = arith.constant 48 : index
        %get3A_323 = tpu.vector_load %arg21[%get3A_321, %get3A_322] {strides = array<i32>} : memref<64x128xf32, #tpu.memory_space<vmem>>, vector<1x16xf32>,
        %get3A_324 = vector.shape_cast %get3A_323 : vector<1x16xf32> to vector<16xf32>
        %add3A_325 = arith.addf %get3A_320, %get3A_324 : vector<16xf32>
        %swap3A_326 = arith.index_cast %scan3A_275 : i32 to index
        %swap3A_327 = arith.constant 48 : index
        %swap3A_328 = tpu.vector_load %arg25[%swap3A_326, %swap3A_327] {strides = array<i32>} : memref<64x128xf32, #tpu.memory_space<vmem>>, vector<1x16xf32>,
        %swap3A_329 = vector.shape_cast %swap3A_328 : vector<1x16xf32> to vector<16xf32>
        %swap3A_330 = vector.shape_cast %add3A_325 : vector<16xf32> to vector<1x16xf32>
        tpu.vector_store %arg25[%swap3A_326, %swap3A_327], %swap3A_330 {strides = array<i32>} : memref<64x128xf32, #tpu.memory_space<vmem>>, vector<1x16xf32>,
        %get3A_331 = arith.index_cast %scan3A_275 : i32 to index
        %get3A_332 = arith.constant 64 : index
        %get3A_333 = tpu.vector_load %arg17[%get3A_331, %get3A_332] {strides = array<i32>} : memref<64x128xf32, #tpu.memory_space<vmem>>, vector<1x16xf32>,
        %get3A_334 = vector.shape_cast %get3A_333 : vector<1x16xf32> to vector<16xf32>
        %get3A_335 = arith.index_cast %scan3A_275 : i32 to index
        %get3A_336 = arith.constant 64 : index
        %get3A_337 = tpu.vector_load %arg21[%get3A_335, %get3A_336] {strides = array<i32>} : memref<64x128xf32, #tpu.memory_space<vmem>>, vector<1x16xf32>,
        %get3A_338 = vector.shape_cast %get3A_337 : vector<1x16xf32> to vector<16xf32>
        %add3A_339 = arith.addf %get3A_334, %get3A_338 : vector<16xf32>
        %swap3A_340 = arith.index_cast %scan3A_275 : i32 to index
        %swap3A_341 = arith.constant 64 : index
        %swap3A_342 = tpu.vector_load %arg25[%swap3A_340, %swap3A_341] {strides = array<i32>} : memref<64x128xf32, #tpu.memory_space<vmem>>, vector<1x16xf32>,
        %swap3A_343 = vector.shape_cast %swap3A_342 : vector<1x16xf32> to vector<16xf32>
        %swap3A_344 = vector.shape_cast %add3A_339 : vector<16xf32> to vector<1x16xf32>
        tpu.vector_store %arg25[%swap3A_340, %swap3A_341], %swap3A_344 {strides = array<i32>} : memref<64x128xf32, #tpu.memory_space<vmem>>, vector<1x16xf32>,
        %get3A_345 = arith.index_cast %scan3A_275 : i32 to index
        %get3A_346 = arith.constant 80 : index
        %get3A_347 = tpu.vector_load %arg17[%get3A_345, %get3A_346] {strides = array<i32>} : memref<64x128xf32, #tpu.memory_space<vmem>>, vector<1x16xf32>,
        %get3A_348 = vector.shape_cast %get3A_347 : vector<1x16xf32> to vector<16xf32>
        %get3A_349 = arith.index_cast %scan3A_275 : i32 to index
        %get3A_350 = arith.constant 80 : index
        %get3A_351 = tpu.vector_load %arg21[%get3A_349, %get3A_350] {strides = array<i32>} : memref<64x128xf32, #tpu.memory_space<vmem>>, vector<1x16xf32>,
        %get3A_352 = vector.shape_cast %get3A_351 : vector<1x16xf32> to vector<16xf32>
        %add3A_353 = arith.addf %get3A_348, %get3A_352 : vector<16xf32>
        %swap3A_354 = arith.index_cast %scan3A_275 : i32 to index
        %swap3A_355 = arith.constant 80 : index
        %swap3A_356 = tpu.vector_load %arg25[%swap3A_354, %swap3A_355] {strides = array<i32>} : memref<64x128xf32, #tpu.memory_space<vmem>>, vector<1x16xf32>,
        %swap3A_357 = vector.shape_cast %swap3A_356 : vector<1x16xf32> to vector<16xf32>
        %swap3A_358 = vector.shape_cast %add3A_353 : vector<16xf32> to vector<1x16xf32>
        tpu.vector_store %arg25[%swap3A_354, %swap3A_355], %swap3A_358 {strides = array<i32>} : memref<64x128xf32, #tpu.memory_space<vmem>>, vector<1x16xf32>,
        %get3A_359 = arith.index_cast %scan3A_275 : i32 to index
        %get3A_360 = arith.constant 96 : index
        %get3A_361 = tpu.vector_load %arg17[%get3A_359, %get3A_360] {strides = array<i32>} : memref<64x128xf32, #tpu.memory_space<vmem>>, vector<1x16xf32>,
        %get3A_362 = vector.shape_cast %get3A_361 : vector<1x16xf32> to vector<16xf32>
        %get3A_363 = arith.index_cast %scan3A_275 : i32 to index
        %get3A_364 = arith.constant 96 : index
        %get3A_365 = tpu.vector_load %arg21[%get3A_363, %get3A_364] {strides = array<i32>} : memref<64x128xf32, #tpu.memory_space<vmem>>, vector<1x16xf32>,
        %get3A_366 = vector.shape_cast %get3A_365 : vector<1x16xf32> to vector<16xf32>
        %add3A_367 = arith.addf %get3A_362, %get3A_366 : vector<16xf32>
        %swap3A_368 = arith.index_cast %scan3A_275 : i32 to index
        %swap3A_369 = arith.constant 96 : index
        %swap3A_370 = tpu.vector_load %arg25[%swap3A_368, %swap3A_369] {strides = array<i32>} : memref<64x128xf32, #tpu.memory_space<vmem>>, vector<1x16xf32>,
        %swap3A_371 = vector.shape_cast %swap3A_370 : vector<1x16xf32> to vector<16xf32>
        %swap3A_372 = vector.shape_cast %add3A_367 : vector<16xf32> to vector<1x16xf32>
        tpu.vector_store %arg25[%swap3A_368, %swap3A_369], %swap3A_372 {strides = array<i32>} : memref<64x128xf32, #tpu.memory_space<vmem>>, vector<1x16xf32>,
        %get3A_373 = arith.index_cast %scan3A_275 : i32 to index
        %get3A_374 = arith.constant 112 : index
        %get3A_375 = tpu.vector_load %arg17[%get3A_373, %get3A_374] {strides = array<i32>} : memref<64x128xf32, #tpu.memory_space<vmem>>, vector<1x16xf32>,
        %get3A_376 = vector.shape_cast %get3A_375 : vector<1x16xf32> to vector<16xf32>
        %get3A_377 = arith.index_cast %scan3A_275 : i32 to index
        %get3A_378 = arith.constant 112 : index
        %get3A_379 = tpu.vector_load %arg21[%get3A_377, %get3A_378] {strides = array<i32>} : memref<64x128xf32, #tpu.memory_space<vmem>>, vector<1x16xf32>,
        %get3A_380 = vector.shape_cast %get3A_379 : vector<1x16xf32> to vector<16xf32>
        %add3A_381 = arith.addf %get3A_376, %get3A_380 : vector<16xf32>
        %swap3A_382 = arith.index_cast %scan3A_275 : i32 to index
        %swap3A_383 = arith.constant 112 : index
        %swap3A_384 = tpu.vector_load %arg25[%swap3A_382, %swap3A_383] {strides = array<i32>} : memref<64x128xf32, #tpu.memory_space<vmem>>, vector<1x16xf32>,
        %swap3A_385 = vector.shape_cast %swap3A_384 : vector<1x16xf32> to vector<16xf32>
        %swap3A_386 = vector.shape_cast %add3A_381 : vector<16xf32> to vector<1x16xf32>
        tpu.vector_store %arg25[%swap3A_382, %swap3A_383], %swap3A_386 {strides = array<i32>} : memref<64x128xf32, #tpu.memory_space<vmem>>, vector<1x16xf32>,
        %scan3A_387 = arith.constant 0 : i32
        scf.yield %scan3A_387 : i32
      }
      %scan3A_220 = arith.constant 64 : i32
      %mul3A_221 = arith.constant 64 : i32
      %mul3A_222 = arith.muli %add3A_195, %mul3A_221 : i32
      %add3A_223 = arith.addi %mul3A_2, %mul3A_222 : i32
      %dma_start3A_224 = arith.constant 0 : i32
      %dma_start3A_225 = tpu.memref_slice %arg6[%add3A_223, %dma_start3A_224] : memref<409600x128xf32, #tpu.memory_space<hbm>> -> memref<64x128xf32, #tpu.memory_space<hbm>>
      %dma_start3A_226 = arith.constant 0 : i32
      %dma_start3A_227 = tpu.memref_slice %arg6[%add3A_223, %dma_start3A_226] : memref<409600x128xf32, #tpu.memory_space<hbm>> -> memref<64x128xf32, #tpu.memory_space<hbm>>
      tpu.enqueue_dma source(%arg25 : memref<64x128xf32, #tpu.memory_space<vmem>>) target(%dma_start3A_227 : memref<64x128xf32, #tpu.memory_space<hbm>>) target_semaphore(%arg46 : memref<!tpu.dma_semaphore, #tpu.memory_space<semaphore_mem>>)
      %lt3A_228 = arith.constant 200 : i32
      %lt3A_229 = arith.cmpi slt, %add3A_197, %lt3A_228 : i32
      %convert_element_type3A_230 = arith.extui %lt3A_229 : i1 to i32
      %cond3A_231 = arith.constant 0 : i32
      %cond3A_232 = arith.cmpi ne, %convert_element_type3A_230, %cond3A_231 : i32
      scf.if %cond3A_232 {
        %mul3A_275 = arith.constant 64 : i32
        %mul3A_276 = arith.muli %add3A_197, %mul3A_275 : i32
        %add3A_277 = arith.addi %mul3A_2, %mul3A_276 : i32
        %dma_wait3A_278 = tpu.memref_slice %arg2[%add3A_277] : memref<409600xi32, #tpu.memory_space<hbm>> -> memref<64xi32, #tpu.memory_space<hbm>>
        %dma_wait3A_279 = tpu.memref_slice %arg2[%add3A_277] : memref<409600xi32, #tpu.memory_space<hbm>> -> memref<64xi32, #tpu.memory_space<hbm>>
        tpu.wait_dma2 semaphore(%arg30 : memref<!tpu.dma_semaphore, #tpu.memory_space<semaphore_mem>>) src(%dma_wait3A_279 : memref<64xi32, #tpu.memory_space<hbm>>) dst(%arg9 : memref<64xi32, #tpu.memory_space<vmem>>)
        %dma_wait3A_280 = tpu.memref_slice %arg3[%add3A_277] : memref<409600xi32, #tpu.memory_space<hbm>> -> memref<64xi32, #tpu.memory_space<hbm>>
        %dma_wait3A_281 = tpu.memref_slice %arg3[%add3A_277] : memref<409600xi32, #tpu.memory_space<hbm>> -> memref<64xi32, #tpu.memory_space<hbm>>
        tpu.wait_dma2 semaphore(%arg34 : memref<!tpu.dma_semaphore, #tpu.memory_space<semaphore_mem>>) src(%dma_wait3A_281 : memref<64xi32, #tpu.memory_space<hbm>>) dst(%arg13 : memref<64xi32, #tpu.memory_space<vmem>>)
        %dma_start3A_282 = arith.constant 0 : i32
        %dma_start3A_283 = arith.constant 0 : i32
        %dma_start3A_284 = tpu.memref_slice %arg4[%dma_start3A_282, %dma_start3A_283] : memref<100000x128xf32, #tpu.memory_space<hbm>> -> memref<100000x128xf32, #tpu.memory_space<hbm>>
        tpu.enqueue_indirect_dma source(%dma_start3A_284 : memref<100000x128xf32, #tpu.memory_space<hbm>>) target(%arg17 : memref<64x128xf32, #tpu.memory_space<vmem>>) offsets(%arg9 : memref<64xi32, #tpu.memory_space<vmem>>) semaphore(%arg38 : memref<!tpu.dma_semaphore, #tpu.memory_space<semaphore_mem>>)
        %dma_start3A_285 = arith.constant 0 : i32
        %dma_start3A_286 = arith.constant 0 : i32
        %dma_start3A_287 = tpu.memref_slice %arg27[%dma_start3A_285, %dma_start3A_286] : memref<1000x128xf32, #tpu.memory_space<vmem_shared>> -> memref<1000x128xf32, #tpu.memory_space<vmem_shared>>
        tpu.enqueue_indirect_dma source(%dma_start3A_287 : memref<1000x128xf32, #tpu.memory_space<vmem_shared>>) target(%arg21 : memref<64x128xf32, #tpu.memory_space<vmem>>) offsets(%arg13 : memref<64xi32, #tpu.memory_space<vmem>>) semaphore(%arg42 : memref<!tpu.dma_semaphore, #tpu.memory_space<semaphore_mem>>)
      } else {
      }
      %mul3A_233 = arith.constant 4 : i32
      %mul3A_234 = arith.muli %scan3A_109, %mul3A_233 : i32
      %add3A_235 = arith.constant 3 : i32
      %add3A_236 = arith.addi %mul3A_234, %add3A_235 : i32
      %add3A_237 = arith.constant 4 : i32
      %add3A_238 = arith.addi %add3A_236, %add3A_237 : i32
      %dma_wait3A_239 = arith.constant 0 : i32
      %dma_wait3A_240 = arith.constant 0 : i32
      %dma_wait3A_241 = tpu.memref_slice %arg4[%dma_wait3A_239, %dma_wait3A_240] : memref<100000x128xf32, #tpu.memory_space<hbm>> -> memref<100000x128xf32, #tpu.memory_space<hbm>>
      tpu.wait_indirect_dma semaphore(%arg39 : memref<!tpu.dma_semaphore, #tpu.memory_space<semaphore_mem>>) src(%dma_wait3A_241 : memref<100000x128xf32, #tpu.memory_space<hbm>>) dst(%arg18 : memref<64x128xf32, #tpu.memory_space<vmem>>)
      %dma_wait3A_242 = arith.constant 0 : i32
      %dma_wait3A_243 = arith.constant 0 : i32
      %dma_wait3A_244 = tpu.memref_slice %arg27[%dma_wait3A_242, %dma_wait3A_243] : memref<1000x128xf32, #tpu.memory_space<vmem_shared>> -> memref<1000x128xf32, #tpu.memory_space<vmem_shared>>
      tpu.wait_indirect_dma semaphore(%arg43 : memref<!tpu.dma_semaphore, #tpu.memory_space<semaphore_mem>>) src(%dma_wait3A_244 : memref<1000x128xf32, #tpu.memory_space<vmem_shared>>) dst(%arg22 : memref<64x128xf32, #tpu.memory_space<vmem>>)
      %lt3A_245 = arith.constant 200 : i32
      %lt3A_246 = arith.cmpi slt, %add3A_238, %lt3A_245 : i32
      %convert_element_type3A_247 = arith.extui %lt3A_246 : i1 to i32
      %cond3A_248 = arith.constant 0 : i32
      %cond3A_249 = arith.cmpi ne, %convert_element_type3A_247, %cond3A_248 : i32
      scf.if %cond3A_249 {
        %mul3A_275 = arith.constant 64 : i32
        %mul3A_276 = arith.muli %add3A_238, %mul3A_275 : i32
        %add3A_277 = arith.addi %mul3A_2, %mul3A_276 : i32
        %dma_start3A_278 = tpu.memref_slice %arg2[%add3A_277] : memref<409600xi32, #tpu.memory_space<hbm>> -> memref<64xi32, #tpu.memory_space<hbm>>
        %dma_start3A_279 = tpu.memref_slice %arg2[%add3A_277] : memref<409600xi32, #tpu.memory_space<hbm>> -> memref<64xi32, #tpu.memory_space<hbm>>
        tpu.enqueue_dma source(%dma_start3A_279 : memref<64xi32, #tpu.memory_space<hbm>>) target(%arg10 : memref<64xi32, #tpu.memory_space<vmem>>) target_semaphore(%arg31 : memref<!tpu.dma_semaphore, #tpu.memory_space<semaphore_mem>>)
        %dma_start3A_280 = tpu.memref_slice %arg3[%add3A_277] : memref<409600xi32, #tpu.memory_space<hbm>> -> memref<64xi32, #tpu.memory_space<hbm>>
        %dma_start3A_281 = tpu.memref_slice %arg3[%add3A_277] : memref<409600xi32, #tpu.memory_space<hbm>> -> memref<64xi32, #tpu.memory_space<hbm>>
        tpu.enqueue_dma source(%dma_start3A_281 : memref<64xi32, #tpu.memory_space<hbm>>) target(%arg14 : memref<64xi32, #tpu.memory_space<vmem>>) target_semaphore(%arg35 : memref<!tpu.dma_semaphore, #tpu.memory_space<semaphore_mem>>)
      } else {
      }
      %ge3A_250 = arith.constant 4 : i32
      %ge3A_251 = arith.cmpi sge, %add3A_236, %ge3A_250 : i32
      %convert_element_type3A_252 = arith.extui %ge3A_251 : i1 to i32
      %cond3A_253 = arith.constant 0 : i32
      %cond3A_254 = arith.cmpi ne, %convert_element_type3A_252, %cond3A_253 : i32
      scf.if %cond3A_254 {
        %sub3A = arith.constant 4 : i32
        %sub3A_275 = arith.subi %add3A_236, %sub3A : i32
        %mul3A_276 = arith.constant 64 : i32
        %mul3A_277 = arith.muli %sub3A_275, %mul3A_276 : i32
        %add3A_278 = arith.addi %mul3A_2, %mul3A_277 : i32
        %dma_wait3A_279 = arith.constant 0 : i32
        %dma_wait3A_280 = tpu.memref_slice %arg6[%add3A_278, %dma_wait3A_279] : memref<409600x128xf32, #tpu.memory_space<hbm>> -> memref<64x128xf32, #tpu.memory_space<hbm>>
        %dma_wait3A_281 = arith.constant 0 : i32
        %dma_wait3A_282 = tpu.memref_slice %arg6[%add3A_278, %dma_wait3A_281] : memref<409600x128xf32, #tpu.memory_space<hbm>> -> memref<64x128xf32, #tpu.memory_space<hbm>>
        tpu.wait_dma2 semaphore(%arg47 : memref<!tpu.dma_semaphore, #tpu.memory_space<semaphore_mem>>) src(%arg26 : memref<64x128xf32, #tpu.memory_space<vmem>>) dst(%dma_wait3A_282 : memref<64x128xf32, #tpu.memory_space<hbm>>)
      } else {
      }
      %scan3A_255 = arith.constant 0 : i32
      %scan3A_256 = arith.constant 0 : i32
      %scan3A_257 = arith.constant 64 : i32
      %scan3A_258 = arith.addi %scan3A_256, %scan3A_257 : i32
      %scan3A_259 = arith.constant 1 : i32
      %scan3A_260 = scf.for %scan3A_275 = %scan3A_256 to %scan3A_258 step %scan3A_259 iter_args(%scan3A_276 = %scan3A_255) -> (i32)  : i32 {
        %get3A = arith.index_cast %scan3A_275 : i32 to index
        %get3A_277 = arith.constant 0 : index
        %get3A_278 = tpu.vector_load %arg18[%get3A, %get3A_277] {strides = array<i32>} : memref<64x128xf32, #tpu.memory_space<vmem>>, vector<1x16xf32>,
        %get3A_279 = vector.shape_cast %get3A_278 : vector<1x16xf32> to vector<16xf32>
        %get3A_280 = arith.index_cast %scan3A_275 : i32 to index
        %get3A_281 = arith.constant 0 : index
        %get3A_282 = tpu.vector_load %arg22[%get3A_280, %get3A_281] {strides = array<i32>} : memref<64x128xf32, #tpu.memory_space<vmem>>, vector<1x16xf32>,
        %get3A_283 = vector.shape_cast %get3A_282 : vector<1x16xf32> to vector<16xf32>
        %add3A_284 = arith.addf %get3A_279, %get3A_283 : vector<16xf32>
        %swap3A = arith.index_cast %scan3A_275 : i32 to index
        %swap3A_285 = arith.constant 0 : index
        %swap3A_286 = tpu.vector_load %arg26[%swap3A, %swap3A_285] {strides = array<i32>} : memref<64x128xf32, #tpu.memory_space<vmem>>, vector<1x16xf32>,
        %swap3A_287 = vector.shape_cast %swap3A_286 : vector<1x16xf32> to vector<16xf32>
        %swap3A_288 = vector.shape_cast %add3A_284 : vector<16xf32> to vector<1x16xf32>
        tpu.vector_store %arg26[%swap3A, %swap3A_285], %swap3A_288 {strides = array<i32>} : memref<64x128xf32, #tpu.memory_space<vmem>>, vector<1x16xf32>,
        %get3A_289 = arith.index_cast %scan3A_275 : i32 to index
        %get3A_290 = arith.constant 16 : index
        %get3A_291 = tpu.vector_load %arg18[%get3A_289, %get3A_290] {strides = array<i32>} : memref<64x128xf32, #tpu.memory_space<vmem>>, vector<1x16xf32>,
        %get3A_292 = vector.shape_cast %get3A_291 : vector<1x16xf32> to vector<16xf32>
        %get3A_293 = arith.index_cast %scan3A_275 : i32 to index
        %get3A_294 = arith.constant 16 : index
        %get3A_295 = tpu.vector_load %arg22[%get3A_293, %get3A_294] {strides = array<i32>} : memref<64x128xf32, #tpu.memory_space<vmem>>, vector<1x16xf32>,
        %get3A_296 = vector.shape_cast %get3A_295 : vector<1x16xf32> to vector<16xf32>
        %add3A_297 = arith.addf %get3A_292, %get3A_296 : vector<16xf32>
        %swap3A_298 = arith.index_cast %scan3A_275 : i32 to index
        %swap3A_299 = arith.constant 16 : index
        %swap3A_300 = tpu.vector_load %arg26[%swap3A_298, %swap3A_299] {strides = array<i32>} : memref<64x128xf32, #tpu.memory_space<vmem>>, vector<1x16xf32>,
        %swap3A_301 = vector.shape_cast %swap3A_300 : vector<1x16xf32> to vector<16xf32>
        %swap3A_302 = vector.shape_cast %add3A_297 : vector<16xf32> to vector<1x16xf32>
        tpu.vector_store %arg26[%swap3A_298, %swap3A_299], %swap3A_302 {strides = array<i32>} : memref<64x128xf32, #tpu.memory_space<vmem>>, vector<1x16xf32>,
        %get3A_303 = arith.index_cast %scan3A_275 : i32 to index
        %get3A_304 = arith.constant 32 : index
        %get3A_305 = tpu.vector_load %arg18[%get3A_303, %get3A_304] {strides = array<i32>} : memref<64x128xf32, #tpu.memory_space<vmem>>, vector<1x16xf32>,
        %get3A_306 = vector.shape_cast %get3A_305 : vector<1x16xf32> to vector<16xf32>
        %get3A_307 = arith.index_cast %scan3A_275 : i32 to index
        %get3A_308 = arith.constant 32 : index
        %get3A_309 = tpu.vector_load %arg22[%get3A_307, %get3A_308] {strides = array<i32>} : memref<64x128xf32, #tpu.memory_space<vmem>>, vector<1x16xf32>,
        %get3A_310 = vector.shape_cast %get3A_309 : vector<1x16xf32> to vector<16xf32>
        %add3A_311 = arith.addf %get3A_306, %get3A_310 : vector<16xf32>
        %swap3A_312 = arith.index_cast %scan3A_275 : i32 to index
        %swap3A_313 = arith.constant 32 : index
        %swap3A_314 = tpu.vector_load %arg26[%swap3A_312, %swap3A_313] {strides = array<i32>} : memref<64x128xf32, #tpu.memory_space<vmem>>, vector<1x16xf32>,
        %swap3A_315 = vector.shape_cast %swap3A_314 : vector<1x16xf32> to vector<16xf32>
        %swap3A_316 = vector.shape_cast %add3A_311 : vector<16xf32> to vector<1x16xf32>
        tpu.vector_store %arg26[%swap3A_312, %swap3A_313], %swap3A_316 {strides = array<i32>} : memref<64x128xf32, #tpu.memory_space<vmem>>, vector<1x16xf32>,
        %get3A_317 = arith.index_cast %scan3A_275 : i32 to index
        %get3A_318 = arith.constant 48 : index
        %get3A_319 = tpu.vector_load %arg18[%get3A_317, %get3A_318] {strides = array<i32>} : memref<64x128xf32, #tpu.memory_space<vmem>>, vector<1x16xf32>,
        %get3A_320 = vector.shape_cast %get3A_319 : vector<1x16xf32> to vector<16xf32>
        %get3A_321 = arith.index_cast %scan3A_275 : i32 to index
        %get3A_322 = arith.constant 48 : index
        %get3A_323 = tpu.vector_load %arg22[%get3A_321, %get3A_322] {strides = array<i32>} : memref<64x128xf32, #tpu.memory_space<vmem>>, vector<1x16xf32>,
        %get3A_324 = vector.shape_cast %get3A_323 : vector<1x16xf32> to vector<16xf32>
        %add3A_325 = arith.addf %get3A_320, %get3A_324 : vector<16xf32>
        %swap3A_326 = arith.index_cast %scan3A_275 : i32 to index
        %swap3A_327 = arith.constant 48 : index
        %swap3A_328 = tpu.vector_load %arg26[%swap3A_326, %swap3A_327] {strides = array<i32>} : memref<64x128xf32, #tpu.memory_space<vmem>>, vector<1x16xf32>,
        %swap3A_329 = vector.shape_cast %swap3A_328 : vector<1x16xf32> to vector<16xf32>
        %swap3A_330 = vector.shape_cast %add3A_325 : vector<16xf32> to vector<1x16xf32>
        tpu.vector_store %arg26[%swap3A_326, %swap3A_327], %swap3A_330 {strides = array<i32>} : memref<64x128xf32, #tpu.memory_space<vmem>>, vector<1x16xf32>,
        %get3A_331 = arith.index_cast %scan3A_275 : i32 to index
        %get3A_332 = arith.constant 64 : index
        %get3A_333 = tpu.vector_load %arg18[%get3A_331, %get3A_332] {strides = array<i32>} : memref<64x128xf32, #tpu.memory_space<vmem>>, vector<1x16xf32>,
        %get3A_334 = vector.shape_cast %get3A_333 : vector<1x16xf32> to vector<16xf32>
        %get3A_335 = arith.index_cast %scan3A_275 : i32 to index
        %get3A_336 = arith.constant 64 : index
        %get3A_337 = tpu.vector_load %arg22[%get3A_335, %get3A_336] {strides = array<i32>} : memref<64x128xf32, #tpu.memory_space<vmem>>, vector<1x16xf32>,
        %get3A_338 = vector.shape_cast %get3A_337 : vector<1x16xf32> to vector<16xf32>
        %add3A_339 = arith.addf %get3A_334, %get3A_338 : vector<16xf32>
        %swap3A_340 = arith.index_cast %scan3A_275 : i32 to index
        %swap3A_341 = arith.constant 64 : index
        %swap3A_342 = tpu.vector_load %arg26[%swap3A_340, %swap3A_341] {strides = array<i32>} : memref<64x128xf32, #tpu.memory_space<vmem>>, vector<1x16xf32>,
        %swap3A_343 = vector.shape_cast %swap3A_342 : vector<1x16xf32> to vector<16xf32>
        %swap3A_344 = vector.shape_cast %add3A_339 : vector<16xf32> to vector<1x16xf32>
        tpu.vector_store %arg26[%swap3A_340, %swap3A_341], %swap3A_344 {strides = array<i32>} : memref<64x128xf32, #tpu.memory_space<vmem>>, vector<1x16xf32>,
        %get3A_345 = arith.index_cast %scan3A_275 : i32 to index
        %get3A_346 = arith.constant 80 : index
        %get3A_347 = tpu.vector_load %arg18[%get3A_345, %get3A_346] {strides = array<i32>} : memref<64x128xf32, #tpu.memory_space<vmem>>, vector<1x16xf32>,
        %get3A_348 = vector.shape_cast %get3A_347 : vector<1x16xf32> to vector<16xf32>
        %get3A_349 = arith.index_cast %scan3A_275 : i32 to index
        %get3A_350 = arith.constant 80 : index
        %get3A_351 = tpu.vector_load %arg22[%get3A_349, %get3A_350] {strides = array<i32>} : memref<64x128xf32, #tpu.memory_space<vmem>>, vector<1x16xf32>,
        %get3A_352 = vector.shape_cast %get3A_351 : vector<1x16xf32> to vector<16xf32>
        %add3A_353 = arith.addf %get3A_348, %get3A_352 : vector<16xf32>
        %swap3A_354 = arith.index_cast %scan3A_275 : i32 to index
        %swap3A_355 = arith.constant 80 : index
        %swap3A_356 = tpu.vector_load %arg26[%swap3A_354, %swap3A_355] {strides = array<i32>} : memref<64x128xf32, #tpu.memory_space<vmem>>, vector<1x16xf32>,
        %swap3A_357 = vector.shape_cast %swap3A_356 : vector<1x16xf32> to vector<16xf32>
        %swap3A_358 = vector.shape_cast %add3A_353 : vector<16xf32> to vector<1x16xf32>
        tpu.vector_store %arg26[%swap3A_354, %swap3A_355], %swap3A_358 {strides = array<i32>} : memref<64x128xf32, #tpu.memory_space<vmem>>, vector<1x16xf32>,
        %get3A_359 = arith.index_cast %scan3A_275 : i32 to index
        %get3A_360 = arith.constant 96 : index
        %get3A_361 = tpu.vector_load %arg18[%get3A_359, %get3A_360] {strides = array<i32>} : memref<64x128xf32, #tpu.memory_space<vmem>>, vector<1x16xf32>,
        %get3A_362 = vector.shape_cast %get3A_361 : vector<1x16xf32> to vector<16xf32>
        %get3A_363 = arith.index_cast %scan3A_275 : i32 to index
        %get3A_364 = arith.constant 96 : index
        %get3A_365 = tpu.vector_load %arg22[%get3A_363, %get3A_364] {strides = array<i32>} : memref<64x128xf32, #tpu.memory_space<vmem>>, vector<1x16xf32>,
        %get3A_366 = vector.shape_cast %get3A_365 : vector<1x16xf32> to vector<16xf32>
        %add3A_367 = arith.addf %get3A_362, %get3A_366 : vector<16xf32>
        %swap3A_368 = arith.index_cast %scan3A_275 : i32 to index
        %swap3A_369 = arith.constant 96 : index
        %swap3A_370 = tpu.vector_load %arg26[%swap3A_368, %swap3A_369] {strides = array<i32>} : memref<64x128xf32, #tpu.memory_space<vmem>>, vector<1x16xf32>,
        %swap3A_371 = vector.shape_cast %swap3A_370 : vector<1x16xf32> to vector<16xf32>
        %swap3A_372 = vector.shape_cast %add3A_367 : vector<16xf32> to vector<1x16xf32>
        tpu.vector_store %arg26[%swap3A_368, %swap3A_369], %swap3A_372 {strides = array<i32>} : memref<64x128xf32, #tpu.memory_space<vmem>>, vector<1x16xf32>,
        %get3A_373 = arith.index_cast %scan3A_275 : i32 to index
        %get3A_374 = arith.constant 112 : index
        %get3A_375 = tpu.vector_load %arg18[%get3A_373, %get3A_374] {strides = array<i32>} : memref<64x128xf32, #tpu.memory_space<vmem>>, vector<1x16xf32>,
        %get3A_376 = vector.shape_cast %get3A_375 : vector<1x16xf32> to vector<16xf32>
        %get3A_377 = arith.index_cast %scan3A_275 : i32 to index
        %get3A_378 = arith.constant 112 : index
        %get3A_379 = tpu.vector_load %arg22[%get3A_377, %get3A_378] {strides = array<i32>} : memref<64x128xf32, #tpu.memory_space<vmem>>, vector<1x16xf32>,
        %get3A_380 = vector.shape_cast %get3A_379 : vector<1x16xf32> to vector<16xf32>
        %add3A_381 = arith.addf %get3A_376, %get3A_380 : vector<16xf32>
        %swap3A_382 = arith.index_cast %scan3A_275 : i32 to index
        %swap3A_383 = arith.constant 112 : index
        %swap3A_384 = tpu.vector_load %arg26[%swap3A_382, %swap3A_383] {strides = array<i32>} : memref<64x128xf32, #tpu.memory_space<vmem>>, vector<1x16xf32>,
        %swap3A_385 = vector.shape_cast %swap3A_384 : vector<1x16xf32> to vector<16xf32>
        %swap3A_386 = vector.shape_cast %add3A_381 : vector<16xf32> to vector<1x16xf32>
        tpu.vector_store %arg26[%swap3A_382, %swap3A_383], %swap3A_386 {strides = array<i32>} : memref<64x128xf32, #tpu.memory_space<vmem>>, vector<1x16xf32>,
        %scan3A_387 = arith.constant 0 : i32
        scf.yield %scan3A_387 : i32
      }
      %scan3A_261 = arith.constant 64 : i32
      %mul3A_262 = arith.constant 64 : i32
      %mul3A_263 = arith.muli %add3A_236, %mul3A_262 : i32
      %add3A_264 = arith.addi %mul3A_2, %mul3A_263 : i32
      %dma_start3A_265 = arith.constant 0 : i32
      %dma_start3A_266 = tpu.memref_slice %arg6[%add3A_264, %dma_start3A_265] : memref<409600x128xf32, #tpu.memory_space<hbm>> -> memref<64x128xf32, #tpu.memory_space<hbm>>
      %dma_start3A_267 = arith.constant 0 : i32
      %dma_start3A_268 = tpu.memref_slice %arg6[%add3A_264, %dma_start3A_267] : memref<409600x128xf32, #tpu.memory_space<hbm>> -> memref<64x128xf32, #tpu.memory_space<hbm>>
      tpu.enqueue_dma source(%arg26 : memref<64x128xf32, #tpu.memory_space<vmem>>) target(%dma_start3A_268 : memref<64x128xf32, #tpu.memory_space<hbm>>) target_semaphore(%arg47 : memref<!tpu.dma_semaphore, #tpu.memory_space<semaphore_mem>>)
      %lt3A_269 = arith.constant 200 : i32
      %lt3A_270 = arith.cmpi slt, %add3A_238, %lt3A_269 : i32
      %convert_element_type3A_271 = arith.extui %lt3A_270 : i1 to i32
      %cond3A_272 = arith.constant 0 : i32
      %cond3A_273 = arith.cmpi ne, %convert_element_type3A_271, %cond3A_272 : i32
      scf.if %cond3A_273 {
        %mul3A_275 = arith.constant 64 : i32
        %mul3A_276 = arith.muli %add3A_238, %mul3A_275 : i32
        %add3A_277 = arith.addi %mul3A_2, %mul3A_276 : i32
        %dma_wait3A_278 = tpu.memref_slice %arg2[%add3A_277] : memref<409600xi32, #tpu.memory_space<hbm>> -> memref<64xi32, #tpu.memory_space<hbm>>
        %dma_wait3A_279 = tpu.memref_slice %arg2[%add3A_277] : memref<409600xi32, #tpu.memory_space<hbm>> -> memref<64xi32, #tpu.memory_space<hbm>>
        tpu.wait_dma2 semaphore(%arg31 : memref<!tpu.dma_semaphore, #tpu.memory_space<semaphore_mem>>) src(%dma_wait3A_279 : memref<64xi32, #tpu.memory_space<hbm>>) dst(%arg10 : memref<64xi32, #tpu.memory_space<vmem>>)
        %dma_wait3A_280 = tpu.memref_slice %arg3[%add3A_277] : memref<409600xi32, #tpu.memory_space<hbm>> -> memref<64xi32, #tpu.memory_space<hbm>>
        %dma_wait3A_281 = tpu.memref_slice %arg3[%add3A_277] : memref<409600xi32, #tpu.memory_space<hbm>> -> memref<64xi32, #tpu.memory_space<hbm>>
        tpu.wait_dma2 semaphore(%arg35 : memref<!tpu.dma_semaphore, #tpu.memory_space<semaphore_mem>>) src(%dma_wait3A_281 : memref<64xi32, #tpu.memory_space<hbm>>) dst(%arg14 : memref<64xi32, #tpu.memory_space<vmem>>)
        %dma_start3A_282 = arith.constant 0 : i32
        %dma_start3A_283 = arith.constant 0 : i32
        %dma_start3A_284 = tpu.memref_slice %arg4[%dma_start3A_282, %dma_start3A_283] : memref<100000x128xf32, #tpu.memory_space<hbm>> -> memref<100000x128xf32, #tpu.memory_space<hbm>>
        tpu.enqueue_indirect_dma source(%dma_start3A_284 : memref<100000x128xf32, #tpu.memory_space<hbm>>) target(%arg18 : memref<64x128xf32, #tpu.memory_space<vmem>>) offsets(%arg10 : memref<64xi32, #tpu.memory_space<vmem>>) semaphore(%arg39 : memref<!tpu.dma_semaphore, #tpu.memory_space<semaphore_mem>>)
        %dma_start3A_285 = arith.constant 0 : i32
        %dma_start3A_286 = arith.constant 0 : i32
        %dma_start3A_287 = tpu.memref_slice %arg27[%dma_start3A_285, %dma_start3A_286] : memref<1000x128xf32, #tpu.memory_space<vmem_shared>> -> memref<1000x128xf32, #tpu.memory_space<vmem_shared>>
        tpu.enqueue_indirect_dma source(%dma_start3A_287 : memref<1000x128xf32, #tpu.memory_space<vmem_shared>>) target(%arg22 : memref<64x128xf32, #tpu.memory_space<vmem>>) offsets(%arg14 : memref<64xi32, #tpu.memory_space<vmem>>) semaphore(%arg43 : memref<!tpu.dma_semaphore, #tpu.memory_space<semaphore_mem>>)
      } else {
      }
      %scan3A_274 = arith.constant 0 : i32
      scf.yield %scan3A_274 : i32
    }
    %scan3A_84 = arith.constant 50 : i32
    %add3A_85 = arith.constant 12544 : i32
    %add3A_86 = arith.addi %mul3A_2, %add3A_85 : i32
    %dma_wait3A_87 = arith.constant 0 : i32
    %dma_wait3A_88 = tpu.memref_slice %arg6[%add3A_86, %dma_wait3A_87] : memref<409600x128xf32, #tpu.memory_space<hbm>> -> memref<64x128xf32, #tpu.memory_space<hbm>>
    %dma_wait3A_89 = arith.constant 0 : i32
    %dma_wait3A_90 = tpu.memref_slice %arg6[%add3A_86, %dma_wait3A_89] : memref<409600x128xf32, #tpu.memory_space<hbm>> -> memref<64x128xf32, #tpu.memory_space<hbm>>
    tpu.wait_dma2 semaphore(%arg44 : memref<!tpu.dma_semaphore, #tpu.memory_space<semaphore_mem>>) src(%arg23 : memref<64x128xf32, #tpu.memory_space<vmem>>) dst(%dma_wait3A_90 : memref<64x128xf32, #tpu.memory_space<hbm>>)
    %add3A_91 = arith.constant 12608 : i32
    %add3A_92 = arith.addi %mul3A_2, %add3A_91 : i32
    %dma_wait3A_93 = arith.constant 0 : i32
    %dma_wait3A_94 = tpu.memref_slice %arg6[%add3A_92, %dma_wait3A_93] : memref<409600x128xf32, #tpu.memory_space<hbm>> -> memref<64x128xf32, #tpu.memory_space<hbm>>
    %dma_wait3A_95 = arith.constant 0 : i32
    %dma_wait3A_96 = tpu.memref_slice %arg6[%add3A_92, %dma_wait3A_95] : memref<409600x128xf32, #tpu.memory_space<hbm>> -> memref<64x128xf32, #tpu.memory_space<hbm>>
    tpu.wait_dma2 semaphore(%arg45 : memref<!tpu.dma_semaphore, #tpu.memory_space<semaphore_mem>>) src(%arg24 : memref<64x128xf32, #tpu.memory_space<vmem>>) dst(%dma_wait3A_96 : memref<64x128xf32, #tpu.memory_space<hbm>>)
    %add3A_97 = arith.constant 12672 : i32
    %add3A_98 = arith.addi %mul3A_2, %add3A_97 : i32
    %dma_wait3A_99 = arith.constant 0 : i32
    %dma_wait3A_100 = tpu.memref_slice %arg6[%add3A_98, %dma_wait3A_99] : memref<409600x128xf32, #tpu.memory_space<hbm>> -> memref<64x128xf32, #tpu.memory_space<hbm>>
    %dma_wait3A_101 = arith.constant 0 : i32
    %dma_wait3A_102 = tpu.memref_slice %arg6[%add3A_98, %dma_wait3A_101] : memref<409600x128xf32, #tpu.memory_space<hbm>> -> memref<64x128xf32, #tpu.memory_space<hbm>>
    tpu.wait_dma2 semaphore(%arg46 : memref<!tpu.dma_semaphore, #tpu.memory_space<semaphore_mem>>) src(%arg25 : memref<64x128xf32, #tpu.memory_space<vmem>>) dst(%dma_wait3A_102 : memref<64x128xf32, #tpu.memory_space<hbm>>)
    %add3A_103 = arith.constant 12736 : i32
    %add3A_104 = arith.addi %mul3A_2, %add3A_103 : i32
    %dma_wait3A_105 = arith.constant 0 : i32
    %dma_wait3A_106 = tpu.memref_slice %arg6[%add3A_104, %dma_wait3A_105] : memref<409600x128xf32, #tpu.memory_space<hbm>> -> memref<64x128xf32, #tpu.memory_space<hbm>>
    %dma_wait3A_107 = arith.constant 0 : i32
    %dma_wait3A_108 = tpu.memref_slice %arg6[%add3A_104, %dma_wait3A_107] : memref<409600x128xf32, #tpu.memory_space<hbm>> -> memref<64x128xf32, #tpu.memory_space<hbm>>
    tpu.wait_dma2 semaphore(%arg47 : memref<!tpu.dma_semaphore, #tpu.memory_space<semaphore_mem>>) src(%arg26 : memref<64x128xf32, #tpu.memory_space<vmem>>) dst(%dma_wait3A_108 : memref<64x128xf32, #tpu.memory_space<hbm>>)
    return
  }
}

</mosaic_0001>

<sc_bundles>
// kernel: kernel.3.cloned.1.call-start
scs
__scs_entry_jumppad:
0x0: {  	(pc) =	sbr.rel $0x88, $3  }
0x1: {  	(tag) =	ssettag $0x0;
	lr =	simm.s32 $0x1  }
0x2: {  	[smem:$0x3F9D] =	sst lr;
	_ =	strace $0xD0000000  }
0x3: {  	_ = 	snop  }
0x4: {  	_ = 	snop  }
0x5: {  	_ = 	snop  }
0x6: {  	_ = 	snop  }
0x7: {  	_ = 	snop  }
__scs_overlays_trampoline_lowered:
0x8: {  	[smem:$0x3FAC] =	sst s0  }
0x9: {  	[smem:$0x3FAD] =	sst s1  }
0xa: {  	[smem:$0x3FAE] =	sst s2  }
0xb: {  	[smem:$0x3FAF] =	sst s3  }
0xc: {  	[smem:$0x3FB0] =	sst s4  }
0xd: {  	[smem:$0x3FB1] =	sst s5  }
0xe: {  	[smem:$0x3FB2] =	sst s6  }
0xf: {  	[smem:$0x3FB3] =	sst s7  }
0x10: {  	[smem:$0x3FB4] =	sst s8  }
0x11: {  	[smem:$0x3FB5] =	sst s9;
	s0 =	simm.s32 @!p0 $0x0  }
0x12: {  	s1 =	sld [smem:$0x3F9B];
	s0 =	simm.s32 @p0 $0x1  }
0x13: {  	[smem:$0x3FB6] =	sst s0;
	s0 =	simm.s32 @!p1 $0x0  }
0x14: {  	s2 =	sld [smem:$0x3F9A];
	s0 =	simm.s32 @p1 $0x1  }
0x15: {  	[smem:$0x3FB7] =	sst s0;
	s0 =	simm.s32 @!p2 $0x0  }
0x16: {  	s3 =	sld [smem:$0x3FDB];
	s0 =	simm.s32 @p2 $0x1  }
0x17: {  	s4 =	simm.s32 $0x1BF5;
	[smem:$0x3FB9] =	sst s0  }
0x18: {  	s0 =	sld [smem:$0x3F9C];
	_ =	swait.ge [sflag:s4], $0x0  }
0x19: {  	s7 =	sld [smem:$0x3F9D]  }
0x1a: {  	s8 =	sadd.s32 $0xFFFFE003, lr  }
0x1b: {  	s9 =	sadd.s32 $0xFFFFFEF7, lr;
	s5 =	simm.s32 $0xFFFFFFFF;
	p2 =	slt.u32 s8, $0xFFFFF086  }
0x1c: {  	p1 =	slt.u32 s9, $0xF7A;
	s5 =	simm.s32 @!p2 $0x0  }
0x1d: {  	s5 =	simm.s32 @p1 $0x1;
	p0 =	seq.s32 s7, s2  }
0x1e: {  	s7 =	smul.u32 @!p0 $0xF7A, s2;
	p2 =	seq.s32 @!p0 s5, $0x0  }
0x1f: {  	s9 =	smul.u32 $0xF7A, s1;
	s8 =	simm.s32 @!p0 $0x1BF5;
	p2 =	por !p2, p0  }
0x20: {  	[sflag:s8] =	ssyncset.s32 @!p0 $0xFFFFF086;
	s6 =	sadd.s32 @!p0 s3, s7;
	s7 =	simm.s32 @!p0 $0x108  }
0x21: {  	s3 =	sadd.s32 s3, s9;
	s6 =	sadd.s32 @!p0 $0x88, s6;
	s7 =	simm.s32 @p2 $0x1082  }
0x22: {  	[simem:s7], [sflag:s8] =	dma.local @!p0 [hbm:s6], $0xF7A  }
0x23: {  	s9 =	sor.u32 $0xD0000000, s2;
	s6 =	simm.s32 $0x108;
	_ =	swait.ge @!p0 [sflag:s8], $0x0  }
0x24: {  	s3 =	sadd.s32 $0x88, s3;
	s6 =	simm.s32 @!p1 $0x1082;
	[sflag:s4] =	ssyncset.s32 $0xFFFFF086  }
0x25: {  	[simem:s6], [sflag:s4] =	dma.local [hbm:s3], $0xF7A  }
0x26: {  	[smem:$0x3F9D] =	sst s1;
	(tag) =	ssettag s2;
	_ =	strace s9  }
0x27: {  	s1 =	sld [smem:$0x3FAD]  }
0x28: {  	s2 =	sld [smem:$0x3FAE]  }
0x29: {  	s4 =	sld [smem:$0x3FB0]  }
0x2a: {  	p0 =	seq.s32 s5, $0x0;
	s5 =	sld [smem:$0x3FB1]  }
0x2b: {  	s6 =	sld [smem:$0x3FB2]  }
0x2c: {  	s7 =	sld [smem:$0x3FB3]  }
0x2d: {  	s3 =	simm.s32 $0x108;
	s8 =	sld [smem:$0x3FB4]  }
0x2e: {  	s3 =	simm.s32 @!p0 $0x1082;
	s9 =	sld [smem:$0x3FB5]  }
0x2f: {  	lr =	sadd.s32 s0, s3;
	s0 =	sld [smem:$0x3FAC]  }
0x30: {  	s3 =	sld [smem:$0x3FAF]  }
0x31: {  	[smem:$0x3FB8] =	sst s10  }
0x32: {  	s10 =	sld [smem:$0x3FB6];
	_ =	sdelay $0x3  }
0x33: {  	p0 =	seq.s32 s10, $0x1;
	s10 =	sld [smem:$0x3FB8];
	_ =	sdelay $0x3  }
0x34: {  	[smem:$0x3FB8] =	sst s10  }
0x35: {  	s10 =	sld [smem:$0x3FB7];
	_ =	sdelay $0x3  }
0x36: {  	p1 =	seq.s32 s10, $0x1;
	s10 =	sld [smem:$0x3FB8];
	_ =	sdelay $0x3  }
0x37: {  	[smem:$0x3FB8] =	sst s10  }
0x38: {  	s10 =	sld [smem:$0x3FB9]  }
0x39: {  	_ = 	snop;
	(pc) =	sbr.ind lr, $3  }
0x3a: {  	_ = 	snop  }
0x3b: {  	_ = 	snop  }
0x3c: {  	p2 =	seq.s32 s10, $0x1;
	s10 =	sld [smem:$0x3FB8]  }
0x3d: {  	_ =	shalt  }
0x3e: {  	_ =	shalt  }
0x3f: {  	_ =	shalt  }
0x40: {  	_ =	shalt  }
0x41: {  	_ =	shalt  }
0x42: {  	_ =	shalt  }
0x43: {  	_ =	shalt  }
0x44: {  	_ =	shalt  }
0x45: {  	_ =	shalt  }
0x46: {  	_ =	shalt  }
0x47: {  	_ =	shalt  }
0x48: {  	_ =	shalt  }
0x49: {  	_ =	shalt  }
0x4a: {  	_ =	shalt  }
0x4b: {  	_ =	shalt  }
0x4c: {  	_ =	shalt  }
0x4d: {  	_ =	shalt  }
0x4e: {  	_ =	shalt  }
0x4f: {  	_ =	shalt  }
0x50: {  	_ =	shalt  }
0x51: {  	_ =	shalt  }
0x52: {  	_ =	shalt  }
0x53: {  	_ =	shalt  }
0x54: {  	_ =	shalt  }
0x55: {  	_ =	shalt  }
0x56: {  	_ =	shalt  }
0x57: {  	_ =	shalt  }
0x58: {  	_ =	shalt  }
0x59: {  	_ =	shalt  }
0x5a: {  	_ =	shalt  }
0x5b: {  	_ =	shalt  }
0x5c: {  	_ =	shalt  }
0x5d: {  	_ =	shalt  }
0x5e: {  	_ =	shalt  }
0x5f: {  	_ =	shalt  }
0x60: {  	_ =	shalt  }
0x61: {  	_ =	shalt  }
0x62: {  	_ =	shalt  }
0x63: {  	_ =	shalt  }
0x64: {  	_ =	shalt  }
0x65: {  	_ =	shalt  }
0x66: {  	_ =	shalt  }
0x67: {  	_ =	shalt  }
0x68: {  	_ =	shalt  }
0x69: {  	_ =	shalt  }
0x6a: {  	_ =	shalt  }
0x6b: {  	_ =	shalt  }
0x6c: {  	_ =	shalt  }
0x6d: {  	_ =	shalt  }
0x6e: {  	_ =	shalt  }
0x6f: {  	_ =	shalt  }
0x70: {  	_ =	shalt  }
0x71: {  	_ =	shalt  }
0x72: {  	_ =	shalt  }
0x73: {  	_ =	shalt  }
0x74: {  	_ =	shalt  }
0x75: {  	_ =	shalt  }
0x76: {  	_ =	shalt  }
0x77: {  	_ =	shalt  }
0x78: {  	_ =	shalt  }
0x79: {  	_ =	shalt  }
0x7a: {  	_ =	shalt  }
0x7b: {  	_ =	shalt  }
0x7c: {  	_ =	shalt  }
0x7d: {  	_ =	shalt  }
0x7e: {  	_ =	shalt  }
0x7f: {  	_ =	shalt  }
0x80: {  	_ =	shalt  }
0x81: {  	_ =	shalt  }
0x82: {  	_ =	shalt  }
0x83: {  	_ =	shalt  }
0x84: {  	_ =	shalt  }
0x85: {  	_ =	shalt  }
0x86: {  	_ =	shalt  }
0x87: {  	_ =	shalt  }
.Lfunc_end0:
.L_simem_size_0:
called_computation_lowered:
.L_overlay_start_0:
0x88: {  	s2 =	sld [smem:$0x3FD9]  }
0x89: {  	s3 =	sld [smem:$0x3FFE];
	_ =	sdelay $0x1  }
0x8a: {  	s1 =	srdreg.scid  }
0x8b: {  	s0 =	sand.u32 $0x1, s1  }
0x8c: {  	s17 =	sshll.u32 s0, $0xA;
	s2 =	sadd.s32 s3, s2  }
0x8d: {  	s2 =	sadd.s32 s2, s17  }
0x8e: {  	[smem:$0x3FC4] =	sst s2  }
0x8f: {  	_ = 	snop  }
0x90: {  	s2 =	sld [smem:$0x3FC7]  }
0x91: {  	s18 =	sld [smem:$0x3FC6]  }
0x92: {  	s4 =	sld [smem:$0x3FD0];
	(tm) =	ssettm $0x1  }
0x93: {  	s5 =	sld [smem:$0x3FFB];
	_ =	sdelay $0x3  }
0x94: {  	_ =	strace s5  }
0x95: {  	s5 =	sld [smem:$0x3FFC];
	_ =	sdelay $0x3  }
0x96: {  	_ =	strace s5  }
0x97: {  	s5 =	sld [smem:$0x3FFD];
	_ =	sdelay $0x3  }
0x98: {  	_ =	strace s5  }
0x99: {  	_ =	strace $0x8FFFFFFF  }
0x9a: {  	s19 =	sld [smem:$0x3FDB];
	_ =	sdelay $0x1  }
0x9b: {  	s6 =	simm.s32 $_scs_section_size  }
0x9c: {  	s7 =	simm.s32 $_size__tile_overlayer_lowered;
	s8 =	simm.s32 $_tile_overlayer_lowered  }
0x9d: {  	s22 =	simm.s32 $0x1BFF;
	s21 =	sshll.u32 s8, $0x1;
	s5 =	sadd.s32 s6, s19  }
0x9e: {  	s9 =	simm.s32 $0x0;
	s20 =	sshll.u32 s7, $0x1;
	s7 =	sadd.s32 s21, s5  }
0x9f: {  	[timem:s9], [sflag:s22] =	dma.local [hbm:s7], s20  }
0xa0: {  	_ =	swait.ge [sflag:s22], s20  }
0xa1: {  	s6 =	ssub.s32 $0x0, s20;
	[sflag:s22] =	ssyncset.done $0x0  }
0xa2: {  	[sflag:s22] =	ssyncadd.s32 s6;
	_ =	sdelay $0x1  }
0xa3: {  	s23 =	simm.s32 $0x1B8B  }
0xa4: {  	_ =	swait.ge [sflag:s23], $0x1  }
0xa5: {  	[sflag:s23] =	ssyncset.done $0x0  }
0xa6: {  	s25 =	simm.s32 $0x1B8E;
	s24 =	sld [smem:$0x3FFE];
	[sflag:s23] =	ssyncadd.s32 $0xFFFFFFFF  }
0xa7: {  	s26 =	simm.s32 $execute0_lowered;
	[smem:$0x3FD2] =	sst s25  }
0xa8: {  	s7 =	sshll.u32 s26, $0x1;
	_ =	strace $0x80000046;
	[dreg:$0x1] =	wrdreg $0xFFFFFFFF  }
0xa9: {  	s28 =	simm.s32 $_size_execute0_lowered;
	s5 =	sadd.s32 s5, s7;
	[dreg:$0x0] =	wrdreg $0x0  }
0xaa: {  	s7 =	sshll.u32 s28, $0x1;
	[dreg:$0x2] =	wrdreg s5  }
0xab: {  	[dreg:$0x3] =	wrdreg s7  }
0xac: {  	[dreg:$0x4] =	wrdreg $0xC0  }
0xad: {  	_ =	task [dreg:s9], $0x5FFFF  }
0xae: {  	[dreg:$0x1] =	wrdreg $0xFFFFFFFF  }
0xaf: {  	[dreg:$0x0] =	wrdreg $0x60  }
0xb0: {  	[dreg:$0x2] =	wrdreg s24  }
0xb1: {  	[dreg:$0x3] =	wrdreg s2  }
0xb2: {  	[dreg:$0x4] =	wrdreg s18  }
0xb3: {  	[dreg:$0x5] =	wrdreg s4  }
0xb4: {  	[dreg:$0x6] =	wrdreg $0x184000  }
0xb5: {  	[dreg:$0x7] =	wrdreg $0x9  }
0xb6: {  	_ =	task.clear_ibuf [dreg:s9], $0x8FFFF;
	_ =	strace $0x90000046  }
0xb7: {  	s29 =	simm.s32 $0x9;
	_ =	strace $0x80000048  }
0xb8: {  	_ =	swait.ge [sflag:s29], $0x1  }
0xb9: {  	[sflag:s29] =	ssyncadd.s32 $0xFFFFFFFF  }
0xba: {  	_ =	strace $0x90000048  }
0xbb: {  	_ =	sfence  }
0xbc: {  	s30 =	sld [smem:$0x0];
	_ =	sdelay $0x2  }
0xbd: {  	s31 =	sshll.u32 s1, $0xD;
	s1 =	sshrl.u32 s1, $0x2  }
0xbe: {  	s3 =	sand.u32 $0x4000, s31;
	s1 =	sadd.s32 s1, s30  }
0xbf: {  	s0 =	sor.u32 s3, s0;
	s1 =	sshll.u32 s1, $0x11  }
0xc0: {  	s0 =	sor.u32 s1, s0  }
0xc1: {  	s0 =	sadd.s32 $0x8F2B, s0  }
0xc2: {  	[sflag:s0] =	ssyncadd.remote.s32 $0x1  }
0xc3: {  	_ =	sfence.sel $0xFFFF  }
0xc4: {  	[dreg:$0x0] =	wrdreg $0xFFFFFFFF;
	(pc) =	sbr.abs _section_cstart, $3  }
0xc5: {  	[dreg:$0x1] =	wrdreg $0xFFFFFFFF  }
0xc6: {  	_ =	task.clear_ibuf [dreg:s9], $0x2FFFF;
	_ =	strace $0x9FFFFFFF  }
0xc7: {  	(tm) =	ssettm $0x7FFFFFFF  }
tec
execute0_lowered:
.L_overlay_start_1:
0x0: {  	(tag) =	ssettag $0x1  }
0x1: {  	s0 =	rddreg [dreg:$0x0]  }
0x2: {  	s1 =	rddreg [dreg:$0x1]  }
0x3: {  	s4 =	rddreg [dreg:$0x2]  }
0x4: {  	s2 =	rddreg [dreg:$0x3]  }
0x5: {  	s3 =	rddreg [dreg:$0x4]  }
0x6: {  	s5 =	simm.s32 $0x0;
	s6 =	srdreg.scid;
	s13 =	stileid.u32  }
0x7: {  	s30 =	simm.s32 $0x4;
	s28 =	simm.s32 $0xD;
	s31 =	simm.s32 $0x14400  }
0x8: {  	[smem:$0x7FF] =	sst s5;
	s7 =	sand.u32 $0x1, s6;
	s8 =	sshll.u32 s13, $0x1  }
0x9: {  	s6 =	sadd.s32 $0x600, s0;
	s17 =	sshll.u32 s13, $0xD;
	s11 =	sshll.u32 s13, $0xA  }
0xa: {  	p0 =	seq.s32 s13, $0xF;
	_ =	strace $0x80000047;
	s9 =	ssub.s32 $0x2, s7  }
0xb: {  	s8 =	sor.u32 s7, s8;
	s11 =	sadd.s32 s4, s11;
	s4 =	sadd.s32 $0x3C00, s4  }
0xc: {  	s16 =	sshrl.u32 s9, $0x1;
	s10 =	smul.u32 $0x3200, s8;
	[dreg:$0x6] =	wrdreg s11  }
0xd: {  	s7 =	sadd.s32 $0xCE00, s0;
	[dreg:$0x7] =	wrdreg s4;
	s0 =	ssub.s32 s9, s16  }
0xe: {  	s9 =	sadd.s32 s17, s3;
	s16 =	simm.s32 $0x180;
	s18 =	sshrl.u32 s10, $0x3  }
0xf: {  	s17 =	simm.s32 $0x380;
	s0 =	smax.u32 s0, $0x1;
	s19 =	sadd.s32 s6, s18  }
0x10: {  	s20 =	sor.u32 $0x8, s18;
	s12 =	sadd.s32 s7, s18;
	[dreg:$0x10] =	wrdreg s0  }
0x11: {  	s22 =	sor.u32 $0x10, s18;
	s24 =	sor.u32 $0x18, s18;
	[dreg:$0x8] =	wrdreg s19  }
0x12: {  	s18 =	sor.u32 $0x100, s10;
	[dreg:$0x9] =	wrdreg s12;
	s21 =	sadd.s32 s6, s20  }
0x13: {  	s4 =	sadd.s32 s7, s20;
	s23 =	sadd.s32 s6, s22;
	[dreg:$0xa] =	wrdreg s21  }
0x14: {  	s25 =	sadd.s32 s7, s22;
	s26 =	sadd.s32 s6, s24;
	[dreg:$0xb] =	wrdreg s4  }
0x15: {  	s19 =	smul.u32 $0x190000, s8;
	s20 =	sor.u32 $0x140, s10;
	[dreg:$0xc] =	wrdreg s23  }
0x16: {  	s22 =	sor.u32 $0x180, s10;
	s8 =	simm.s32 $0x8;
	[dreg:$0xd] =	wrdreg s25  }
0x17: {  	s12 =	simm.s32 $0x0;
	[dreg:$0xe] =	wrdreg s26;
	s4 =	sadd.s32 s7, s24  }
.Ltmp0:
0x18: {  	s21 =	sor.u32 $0x40, s10;
	s23 =	sor.u32 $0x1C0, s10;
	(pc) =	sbr.rel .LBB2_1-.Ltmp0, $4  }
0x19: {  	s24 =	sor.u32 $0xC0, s10;
	[dreg:$0xf] =	wrdreg s4;
	s4 =	sadd.s32 $0x1E000, s3  }
0x1a: {  	s26 =	simm.s32 $0x9;
	s10 =	simm.s32 $0x11;
	s0 =	sshrl.u32 @p0 s4, $0x3  }
0x1b: {  	s29 =	sor.u32 $0x4000, s19;
	[dreg:$0x11] =	wrdreg s0;
	s0 =	sshrl.u32 @!p0 s9, $0x3  }
0x1c: {  	s4 =	simm.s32 $0x40;
	[dreg:$0x12] =	wrdreg s0;
	s0 =	simm.s32 $0x16400  }
.LBB2_15:
0x1d: {  	_ =	swait.ge [sflag:s10], $0x2000  }
0x1e: {  	[sflag:s10] =	ssyncset.done $0x0  }
0x1f: {  	s9 =	simm.s32 $0x12;
	[sflag:s10] =	ssyncadd.s32 $0xFFFFE000  }
0x20: {  	_ =	swait.ge [sflag:s9], $0x2000  }
0x21: {  	[sflag:s9] =	ssyncset.done $0x0  }
0x22: {  	s15 =	simm.s32 $0x13;
	[sflag:s9] =	ssyncadd.s32 $0xFFFFE000  }
0x23: {  	_ =	swait.ge [sflag:s15], $0x2000  }
0x24: {  	[sflag:s15] =	ssyncset.done $0x0  }
0x25: {  	s11 =	simm.s32 $0x14;
	[sflag:s15] =	ssyncadd.s32 $0xFFFFE000  }
0x26: {  	_ =	swait.ge [sflag:s11], $0x2000  }
0x27: {  	s12 =	rddreg [dreg:$0x13]  }
0x28: {  	s25 =	rddreg [dreg:$0x10];
	s12 =	sadd.s32 $0x1, s12  }
0x29: {  	p1 =	sne.s32 s12, s25  }
.Ltmp1:
0x2a: {  	_ = 	snop;
	(pc) =	sbr.rel @!p1 .LBB2_16-.Ltmp1, $3  }
0x2b: {  	_ =	sdelay $0x1  }
0x2c: {  	[sflag:s11] =	ssyncset.done $0x0  }
0x2d: {  	[sflag:s11] =	ssyncadd.s32 $0xFFFFE000  }
.LBB2_1:
0x2e: {  	[dreg:$0x13] =	wrdreg s12  }
0x2f: {  	s11 =	rddreg [dreg:$0x7]  }
0x30: {  	s9 =	simm.s32 @p0 $0x1FD5;
	s12 =	rddreg [dreg:$0x11]  }
0x31: {  	[spmem:s12], [sflag:s9] =	dma.local @p0 [hbm:s11], $0x280  }
0x32: {  	s9 =	simm.s32 @p0 $0x15  }
0x33: {  	s11 =	stileid.u32;
	_ =	swait.ge @p0 [sflag:s9], $0x280  }
0x34: {  	s11 =	sshll.u32 @!p0 s11, $0x6;
	[sflag:s9] =	ssyncset.done @p0 $0x0;
	s12 =	rddreg [dreg:$0x12]  }
0x35: {  	[sflag:s9] =	ssyncadd.s32 @p0 $0xFFFFFD80;
	s9 =	sor.u32 @!p0 $0x1C15, s11;
	s11 =	rddreg [dreg:$0x6]  }
0x36: {  	[spmem:s12], [sflag:s9] =	dma.local @!p0 [hbm:s11], $0x400  }
0x37: {  	s9 =	simm.s32 @!p0 $0x15  }
0x38: {  	_ =	swait.ge @!p0 [sflag:s9], $0x400  }
0x39: {  	[sflag:s9] =	ssyncset.done @!p0 $0x0  }
0x3a: {  	[sflag:s9] =	ssyncadd.s32 @!p0 $0xFFFFFC00  }
0x3b: {  	[bflag:$0x0] =	sbarrier.arrive $0xFFFF  }
0x3c: {  	s12 =	rddreg [dreg:$0x8]  }
0x3d: {  	[tilespmem:s5], [sflag:$0x1] =	stream.linear.gather [hbm4b:s12+s5], $0x40, $0x38;
	[tilespmem:$0x1A340] =	vst v63  }
0x3e: {  	s14 =	simm.s32 $0x200;
	s15 =	simm.s32 $0x1;
	s13 =	rddreg [dreg:$0x9]  }
0x3f: {  	[tilespmem:s14], [sflag:$0x5] =	stream.linear.gather [hbm4b:s13+s5], $0x40, $0x38;
	[tilespmem:$0x1A340] =	vst v63  }
0x40: {  	_ =	swait.ge [sflag:s15], $0x40  }
0x41: {  	[sflag:s15] =	ssyncset.done $0x0  }
0x42: {  	s25 =	simm.s32 $0x5;
	[sflag:s15] =	ssyncadd.s32 $0xFFFFFFC0  }
0x43: {  	_ =	swait.ge [sflag:s25], $0x40  }
0x44: {  	[sflag:s25] =	ssyncset.done $0x0  }
0x45: {  	s12 =	simm.s32 $0x400;
	[sflag:s25] =	ssyncadd.s32 $0xFFFFFFC0  }
0x46: {  	[tilespmem:s12], [sflag:$0x9] =	stream.indirect.gather [hbm4b:s1+s4], $0x80, s5, s4, $0xb8;
	[tilespmem:$0x1A340] =	vst v63  }
0x47: {  	s13 =	simm.s32 $0x8400  }
0x48: {  	[tilespmem:s13], [sflag:$0xD] =	stream.indirect.gather [spmem:s3], $0x80, s14, s4, $0xb8;
	[tilespmem:$0x1A340] =	vst v63  }
0x49: {  	s11 =	simm.s32 $0x80;
	s14 =	rddreg [dreg:$0xa]  }
0x4a: {  	[tilespmem:s11], [sflag:$0x2] =	stream.linear.gather [hbm4b:s14+s5], $0x40, $0x38;
	[tilespmem:$0x1A340] =	vst v63  }
0x4b: {  	s15 =	rddreg [dreg:$0xb];
	s25 =	simm.s32 $0x2;
	s12 =	simm.s32 $0x280  }
0x4c: {  	[tilespmem:s12], [sflag:$0x6] =	stream.linear.gather [hbm4b:s15+s5], $0x40, $0x38;
	[tilespmem:$0x1A340] =	vst v63  }
0x4d: {  	_ =	swait.ge [sflag:s25], $0x40  }
0x4e: {  	[sflag:s25] =	ssyncset.done $0x0  }
0x4f: {  	s13 =	simm.s32 $0x6;
	[sflag:s25] =	ssyncadd.s32 $0xFFFFFFC0  }
0x50: {  	_ =	swait.ge [sflag:s13], $0x40  }
0x51: {  	[sflag:s13] =	ssyncset.done $0x0  }
0x52: {  	s14 =	simm.s32 $0x2400;
	[sflag:s13] =	ssyncadd.s32 $0xFFFFFFC0  }
0x53: {  	[tilespmem:s14], [sflag:$0xA] =	stream.indirect.gather [hbm4b:s1+s4], $0x80, s11, s4, $0xb8;
	[tilespmem:$0x1A340] =	vst v63  }
0x54: {  	s15 =	simm.s32 $0xA400  }
0x55: {  	[tilespmem:s15], [sflag:$0xE] =	stream.indirect.gather [spmem:s3], $0x80, s12, s4, $0xb8;
	[tilespmem:$0x1A340] =	vst v63  }
0x56: {  	s25 =	rddreg [dreg:$0xc];
	s11 =	simm.s32 $0x100  }
0x57: {  	[tilespmem:s11], [sflag:$0x3] =	stream.linear.gather [hbm4b:s25+s5], $0x40, $0x38;
	[tilespmem:$0x1A340] =	vst v63  }
0x58: {  	s13 =	simm.s32 $0x300;
	s14 =	simm.s32 $0x3;
	s12 =	rddreg [dreg:$0xd]  }
0x59: {  	[tilespmem:s13], [sflag:$0x7] =	stream.linear.gather [hbm4b:s12+s5], $0x40, $0x38;
	[tilespmem:$0x1A340] =	vst v63  }
0x5a: {  	_ =	swait.ge [sflag:s14], $0x40  }
0x5b: {  	[sflag:s14] =	ssyncset.done $0x0  }
0x5c: {  	s15 =	simm.s32 $0x7;
	[sflag:s14] =	ssyncadd.s32 $0xFFFFFFC0  }
0x5d: {  	_ =	swait.ge [sflag:s15], $0x40  }
0x5e: {  	[sflag:s15] =	ssyncset.done $0x0  }
0x5f: {  	s25 =	simm.s32 $0x4400;
	[sflag:s15] =	ssyncadd.s32 $0xFFFFFFC0  }
0x60: {  	[tilespmem:s25], [sflag:$0xB] =	stream.indirect.gather [hbm4b:s1+s4], $0x80, s11, s4, $0xb8;
	[tilespmem:$0x1A340] =	vst v63  }
0x61: {  	s11 =	simm.s32 $0xC400  }
0x62: {  	[tilespmem:s11], [sflag:$0xF] =	stream.indirect.gather [spmem:s3], $0x80, s13, s4, $0xb8;
	[tilespmem:$0x1A340] =	vst v63  }
0x63: {  	s13 =	rddreg [dreg:$0xe]  }
0x64: {  	[tilespmem:s16], [sflag:$0x4] =	stream.linear.gather [hbm4b:s13+s5], $0x40, $0x38;
	[tilespmem:$0x1A340] =	vst v63  }
0x65: {  	s14 =	rddreg [dreg:$0xf]  }
0x66: {  	[tilespmem:s17], [sflag:$0x8] =	stream.linear.gather [hbm4b:s14+s5], $0x40, $0x38;
	[tilespmem:$0x1A340] =	vst v63  }
0x67: {  	_ =	swait.ge [sflag:s30], $0x40  }
0x68: {  	[sflag:s30] =	ssyncset.done $0x0  }
0x69: {  	[sflag:s30] =	ssyncadd.s32 $0xFFFFFFC0  }
0x6a: {  	_ =	swait.ge [sflag:s8], $0x40  }
0x6b: {  	[sflag:s8] =	ssyncset.done $0x0  }
0x6c: {  	s15 =	simm.s32 $0x6400;
	[sflag:s8] =	ssyncadd.s32 $0xFFFFFFC0  }
0x6d: {  	[tilespmem:s15], [sflag:$0xC] =	stream.indirect.gather [hbm4b:s1+s4], $0x80, s16, s4, $0xb8;
	[tilespmem:$0x1A340] =	vst v63  }
0x6e: {  	s25 =	simm.s32 $0xE400;
	s14 =	simm.s32 $0x0  }
0x6f: {  	[tilespmem:s25], [sflag:$0x10] =	stream.indirect.gather [spmem:s3], $0x80, s17, s4, $0xb8;
	[tilespmem:$0x1A340] =	vst v63  }
.LBB2_2:
0x70: {  	_ =	swait.ge [sflag:s26], $0x2000  }
0x71: {  	p1 =	seq.s32 s14, $0x31;
	[sflag:s26] =	ssyncset.done $0x0  }
0x72: {  	s11 =	sshll.u32 @!p1 s14, $0x8;
	p2 =	seq.s32 @!p1 s14, $0x0;
	[sflag:s26] =	ssyncadd.s32 $0xFFFFE000  }
0x73: {  	s9 =	sadd.s32 @!p1 s11, s18;
	p2 =	por p1, !p2;
	_ =	swait.ge [sflag:s28], $0x2000  }
.Ltmp2:
0x74: {  	s9 =	sshrl.u32 @!p1 s9, $0x3;
	[sflag:s28] =	ssyncset.done $0x0;
	(pc) =	sbr.rel @!p2 .LBB2_3-.Ltmp2, $4  }
0x75: {  	s15 =	simm.s32 @!p1 $0x0;
	s12 =	sadd.s32 @!p1 s6, s9;
	[sflag:s28] =	ssyncadd.s32 $0xFFFFE000  }
0x76: {  	[tilespmem:s15], [sflag:$0x1] =	stream.linear.gather @!p1 [hbm4b:s12+s15], $0x40, $0x38;
	[tilespmem:$0x1A340] =	vst v63  }
0x77: {  	s9 =	sadd.s32 @!p1 s7, s9;
	s12 =	simm.s32 @!p1 $0x200  }
0x78: {  	[tilespmem:s12], [sflag:$0x5] =	stream.linear.gather @!p1 [hbm4b:s9+s15], $0x40, $0x38;
	[tilespmem:$0x1A340] =	vst v63  }
.Ltmp3:
0x79: {  	(pc) =	sbr.rel .LBB2_5-.Ltmp3, $4  }
0x7a: {  	_ = 	snop  }
0x7b: {  	_ =	swait.ge [sflag:s10], $0x2000  }
0x7c: {  	[sflag:s10] =	ssyncset.done $0x0  }
0x7d: {  	p2 =	por $0x0, $0x0;
	[sflag:s10] =	ssyncadd.s32 $0xFFFFE000  }
.LBB2_3:
0x7e: {  	p2 =	por @!p1 $0x1, $0x1  }
.LBB2_5:
0x7f: {  	s15 =	simm.s32 $0x0  }
0x80: {  	v0 =	vld [tilespmem:s15+$0x470]  }
0x81: {  	v1 =	vld [tilespmem:s15+$0x8470]  }
0x82: {  	v2 =	vld [tilespmem:s15+$0x400]  }
0x83: {  	v3 =	vld [tilespmem:s15+$0x8400]  }
0x84: {  	v4 =	vld [tilespmem:s15+$0x410]  }
0x85: {  	v5 =	vld [tilespmem:s15+$0x8410]  }
0x86: {  	v6 =	vld [tilespmem:s15+$0x420]  }
0x87: {  	v7 =	vld [tilespmem:s15+$0x430]  }
0x88: {  	v0 =	vadd.f32 v1, v0;
	v1 =	vld [tilespmem:s15+$0x8420]  }
0x89: {  	v8 =	vld [tilespmem:s15+$0x8430]  }
0x8a: {  	v9 =	vld [tilespmem:s15+$0x8440];
	v2 =	vadd.f32 v3, v2  }
0x8b: {  	[tilespmem:s15+$0x10470] =	vst v0;
	v0 =	vadd.f32 v5, v4;
	v5 =	vld [tilespmem:s15+$0x440]  }
0x8c: {  	v3 =	vld [tilespmem:s15+$0x8450];
	[tilespmem:s15+$0x10400] =	vst v2  }
0x8d: {  	v2 =	vld [tilespmem:s15+$0x450];
	[tilespmem:s15+$0x10410] =	vst v0;
	v0 =	vadd.f32 v1, v6  }
0x8e: {  	v4 =	vld [tilespmem:s15+$0x8460];
	v6 =	vadd.f32 v8, v7  }
0x8f: {  	s9 =	simm.s32 $0x80;
	[tilespmem:s15+$0x10420] =	vst v0;
	v0 =	vld [tilespmem:s15+$0x460]  }
0x90: {  	s25 =	simm.s32 $0x400;
	v5 =	vadd.f32 v9, v5;
	v1 =	vld [tilespmem:s9+$0x470];
	[tilespmem:s15+$0x10430] =	vst v6  }
.LBB2_6:
0x91: {  	p3 =	sne.s32 s25, $0x7E00;
	v6 =	vld [tilespmem:s9+$0x8470]  }
0x92: {  	v7 =	vld [tilespmem:s9+$0x400];
	[tilespmem:s15+$0x10440] =	vst v5;
	v2 =	vadd.f32 v3, v2  }
0x93: {  	v3 =	vld [tilespmem:s9+$0x8400]  }
0x94: {  	v5 =	vld [tilespmem:s9+$0x410];
	[tilespmem:s15+$0x10450] =	vst v2;
	v0 =	vadd.f32 v4, v0  }
0x95: {  	v2 =	vld [tilespmem:s9+$0x8410]  }
0x96: {  	v4 =	vld [tilespmem:s9+$0x420];
	v1 =	vadd.f32 v6, v1;
	[tilespmem:s15+$0x10460] =	vst v0;
	s15 =	smov.u32 s9  }
0x97: {  	v0 =	vld [tilespmem:s15+$0x8420]  }
0x98: {  	v3 =	vadd.f32 v3, v7;
	v6 =	vld [tilespmem:s15+$0x430];
	[tilespmem:s15+$0x10470] =	vst v1  }
0x99: {  	v1 =	vld [tilespmem:s15+$0x8430]  }
0x9a: {  	[tilespmem:s15+$0x10400] =	vst v3;
	v2 =	vadd.f32 v2, v5;
	v5 =	vld [tilespmem:s15+$0x440]  }
0x9b: {  	v7 =	vld [tilespmem:s15+$0x8440]  }
.Ltmp4:
0x9c: {  	[tilespmem:s15+$0x10410] =	vst v2;
	v0 =	vadd.f32 v0, v4;
	v2 =	vld [tilespmem:s15+$0x450];
	(pc) =	sbr.rel @p3 .LBB2_6-.Ltmp4, $4  }
0x9d: {  	v3 =	vld [tilespmem:s15+$0x8450]  }
0x9e: {  	[tilespmem:s15+$0x10420] =	vst v0;
	v6 =	vadd.f32 v1, v6;
	v0 =	vld [tilespmem:s15+$0x460]  }
0x9f: {  	s9 =	sshra.s32 s25, $0x2;
	v4 =	vld [tilespmem:s15+$0x8460]  }
0xa0: {  	s25 =	sadd.s32 $0x200, s25;
	v1 =	vld [tilespmem:s9+$0x470];
	[tilespmem:s15+$0x10430] =	vst v6;
	v5 =	vadd.f32 v7, v5  }
0xa1: {  	v6 =	vld [tilespmem:s9+$0x8470]  }
0xa2: {  	v7 =	vld [tilespmem:s9+$0x400];
	[tilespmem:s15+$0x10440] =	vst v5;
	v2 =	vadd.f32 v3, v2  }
0xa3: {  	v3 =	vld [tilespmem:s9+$0x8400]  }
0xa4: {  	v5 =	vld [tilespmem:s9+$0x410];
	[tilespmem:s15+$0x10450] =	vst v2;
	v0 =	vadd.f32 v4, v0  }
0xa5: {  	v2 =	vld [tilespmem:s9+$0x8410]  }
0xa6: {  	v4 =	vld [tilespmem:s9+$0x420];
	[tilespmem:s15+$0x10460] =	vst v0  }
0xa7: {  	v0 =	vadd.f32 v6, v1;
	v1 =	vld [tilespmem:s9+$0x8420]  }
0xa8: {  	v6 =	vld [tilespmem:s9+$0x430]  }
0xa9: {  	v3 =	vadd.f32 v3, v7;
	[tilespmem:s9+$0x10470] =	vst v0;
	v0 =	vld [tilespmem:s9+$0x8430]  }
0xaa: {  	v7 =	vld [tilespmem:s9+$0x8460]  }
0xab: {  	[tilespmem:s9+$0x10400] =	vst v3;
	v2 =	vadd.f32 v2, v5;
	v3 =	vld [tilespmem:s9+$0x440]  }
0xac: {  	v5 =	vld [tilespmem:s9+$0x8440]  }
0xad: {  	[tilespmem:s9+$0x10410] =	vst v2;
	v1 =	vadd.f32 v1, v4;
	v2 =	vld [tilespmem:s9+$0x450]  }
0xae: {  	v4 =	vld [tilespmem:s9+$0x8450]  }
0xaf: {  	[tilespmem:s9+$0x10420] =	vst v1;
	v1 =	vld [tilespmem:s9+$0x460];
	_ =	sdelay $0x1  }
0xb0: {  	v0 =	vadd.f32 v0, v6  }
0xb1: {  	v3 =	vadd.f32 v5, v3  }
0xb2: {  	s15 =	sshll.u32 s14, $0xF;
	[tilespmem:s9+$0x10430] =	vst v0;
	v0 =	vadd.f32 v4, v2  }
0xb3: {  	s12 =	sadd.s32 s19, s15;
	[tilespmem:s9+$0x10440] =	vst v3;
	v1 =	vadd.f32 v7, v1  }
0xb4: {  	s12 =	sshrl.u32 s12, $0x3;
	[tilespmem:s9+$0x10450] =	vst v0  }
0xb5: {  	s25 =	simm.s32 $0x10400;
	s13 =	sadd.s32 s2, s12;
	[tilespmem:s9+$0x10460] =	vst v1;
	s9 =	simm.s32 @p1 $0xA  }
0xb6: {  	[hbm4b:s13+s5] =	stream.linear.scatter [tilespmem:s25], [sflag:$0x11], $0x2000, $0x38;
	[tilespmem:$0x1A340] =	vst v63  }
0xb7: {  	_ =	swait.ge @p1 [sflag:s9], $0x2000  }
0xb8: {  	[sflag:s9] =	ssyncset.done @p1 $0x0  }
0xb9: {  	[sflag:s9] =	ssyncadd.s32 @p1 $0xFFFFE000;
	s9 =	simm.s32 @p1 $0xE  }
0xba: {  	_ =	swait.ge @p1 [sflag:s9], $0x2000  }
0xbb: {  	[sflag:s9] =	ssyncset.done @p1 $0x0  }
0xbc: {  	[sflag:s9] =	ssyncadd.s32 @p1 $0xFFFFE000;
	s9 =	simm.s32 @!p1 $0x1  }
0xbd: {  	_ =	swait.ge @!p1 [sflag:s9], $0x40  }
0xbe: {  	[sflag:s9] =	ssyncset.done @!p1 $0x0  }
0xbf: {  	[sflag:s9] =	ssyncadd.s32 @!p1 $0xFFFFFFC0;
	s9 =	simm.s32 @!p1 $0x5  }
0xc0: {  	_ =	swait.ge @!p1 [sflag:s9], $0x40  }
0xc1: {  	s12 =	simm.s32 @!p1 $0x0;
	[sflag:s9] =	ssyncset.done @!p1 $0x0  }
0xc2: {  	s25 =	simm.s32 @!p1 $0x400;
	[sflag:s9] =	ssyncadd.s32 @!p1 $0xFFFFFFC0;
	s9 =	simm.s32 @!p1 $0x40  }
0xc3: {  	[tilespmem:s25], [sflag:$0x9] =	stream.indirect.gather @!p1 [hbm4b:s1+s9], $0x80, s12, s9, $0xb8;
	[tilespmem:$0x1A340] =	vst v63  }
0xc4: {  	s13 =	simm.s32 @!p1 $0x8400;
	s25 =	simm.s32 @!p1 $0x200  }
0xc5: {  	[tilespmem:s13], [sflag:$0xD] =	stream.indirect.gather @!p1 [spmem:s3], $0x80, s25, s9, $0xb8;
	[tilespmem:$0x1A340] =	vst v63  }
0xc6: {  	s9 =	simm.s32 @!p1 $0xA  }
0xc7: {  	_ =	swait.ge @!p1 [sflag:s9], $0x2000  }
0xc8: {  	[sflag:s9] =	ssyncset.done @!p1 $0x0  }
0xc9: {  	[sflag:s9] =	ssyncadd.s32 @!p1 $0xFFFFE000;
	s9 =	simm.s32 @!p1 $0xE  }
0xca: {  	s11 =	sadd.s32 @!p1 s11, s20;
	_ =	swait.ge @!p1 [sflag:s9], $0x2000  }
0xcb: {  	s11 =	sshrl.u32 @!p1 s11, $0x3;
	[sflag:s9] =	ssyncset.done @!p1 $0x0  }
0xcc: {  	s13 =	simm.s32 @!p1 $0x80;
	[sflag:s9] =	ssyncadd.s32 @!p1 $0xFFFFE000;
	s9 =	sadd.s32 @!p1 s6, s11  }
0xcd: {  	[tilespmem:s13], [sflag:$0x2] =	stream.linear.gather @!p1 [hbm4b:s9+s12], $0x40, $0x38;
	[tilespmem:$0x1A340] =	vst v63  }
0xce: {  	s9 =	sadd.s32 @!p1 s7, s11;
	s11 =	simm.s32 @!p1 $0x280  }
0xcf: {  	[tilespmem:s11], [sflag:$0x6] =	stream.linear.gather @!p1 [hbm4b:s9+s12], $0x40, $0x38;
	[tilespmem:$0x1A340] =	vst v63  }
0xd0: {  	s9 =	simm.s32 @!p2 $0x12  }
0xd1: {  	_ =	swait.ge @!p2 [sflag:s9], $0x2000  }
0xd2: {  	[sflag:s9] =	ssyncset.done @!p2 $0x0  }
0xd3: {  	s11 =	simm.s32 $0x0;
	[sflag:s9] =	ssyncadd.s32 @!p2 $0xFFFFE000  }
0xd4: {  	v0 =	vld [tilespmem:s11+$0x2470]  }
0xd5: {  	v1 =	vld [tilespmem:s11+$0xA470]  }
0xd6: {  	v2 =	vld [tilespmem:s11+$0x2400]  }
0xd7: {  	v3 =	vld [tilespmem:s11+$0xA400]  }
0xd8: {  	v4 =	vld [tilespmem:s11+$0x2410]  }
0xd9: {  	v5 =	vld [tilespmem:s11+$0xA410]  }
0xda: {  	v6 =	vld [tilespmem:s11+$0x2420]  }
0xdb: {  	v7 =	vld [tilespmem:s11+$0x2430]  }
0xdc: {  	v0 =	vadd.f32 v1, v0;
	v1 =	vld [tilespmem:s11+$0xA420]  }
0xdd: {  	v8 =	vld [tilespmem:s11+$0xA430]  }
0xde: {  	v9 =	vld [tilespmem:s11+$0xA440];
	v2 =	vadd.f32 v3, v2  }
0xdf: {  	[tilespmem:s11+$0x12470] =	vst v0;
	v0 =	vadd.f32 v5, v4;
	v5 =	vld [tilespmem:s11+$0x2440]  }
0xe0: {  	v3 =	vld [tilespmem:s11+$0xA450];
	[tilespmem:s11+$0x12400] =	vst v2  }
0xe1: {  	v2 =	vld [tilespmem:s11+$0x2450];
	[tilespmem:s11+$0x12410] =	vst v0;
	v0 =	vadd.f32 v1, v6  }
0xe2: {  	v4 =	vld [tilespmem:s11+$0xA460];
	v6 =	vadd.f32 v8, v7  }
0xe3: {  	s9 =	simm.s32 $0x80;
	[tilespmem:s11+$0x12420] =	vst v0;
	v0 =	vld [tilespmem:s11+$0x2460]  }
0xe4: {  	s25 =	simm.s32 $0x400;
	v5 =	vadd.f32 v9, v5;
	v1 =	vld [tilespmem:s9+$0x2470];
	[tilespmem:s11+$0x12430] =	vst v6  }
.LBB2_8:
0xe5: {  	p3 =	sne.s32 s25, $0x7E00;
	v6 =	vld [tilespmem:s9+$0xA470]  }
0xe6: {  	v7 =	vld [tilespmem:s9+$0x2400];
	[tilespmem:s11+$0x12440] =	vst v5;
	v2 =	vadd.f32 v3, v2  }
0xe7: {  	v3 =	vld [tilespmem:s9+$0xA400]  }
0xe8: {  	v5 =	vld [tilespmem:s9+$0x2410];
	[tilespmem:s11+$0x12450] =	vst v2;
	v0 =	vadd.f32 v4, v0  }
0xe9: {  	v2 =	vld [tilespmem:s9+$0xA410]  }
0xea: {  	v4 =	vld [tilespmem:s9+$0x2420];
	v1 =	vadd.f32 v6, v1;
	[tilespmem:s11+$0x12460] =	vst v0;
	s11 =	smov.u32 s9  }
0xeb: {  	v0 =	vld [tilespmem:s11+$0xA420]  }
0xec: {  	v3 =	vadd.f32 v3, v7;
	v6 =	vld [tilespmem:s11+$0x2430];
	[tilespmem:s11+$0x12470] =	vst v1  }
0xed: {  	v1 =	vld [tilespmem:s11+$0xA430]  }
0xee: {  	[tilespmem:s11+$0x12400] =	vst v3;
	v2 =	vadd.f32 v2, v5;
	v5 =	vld [tilespmem:s11+$0x2440]  }
0xef: {  	v7 =	vld [tilespmem:s11+$0xA440]  }
.Ltmp5:
0xf0: {  	[tilespmem:s11+$0x12410] =	vst v2;
	v0 =	vadd.f32 v0, v4;
	v2 =	vld [tilespmem:s11+$0x2450];
	(pc) =	sbr.rel @p3 .LBB2_8-.Ltmp5, $4  }
0xf1: {  	v3 =	vld [tilespmem:s11+$0xA450]  }
0xf2: {  	[tilespmem:s11+$0x12420] =	vst v0;
	v6 =	vadd.f32 v1, v6;
	v0 =	vld [tilespmem:s11+$0x2460]  }
0xf3: {  	s9 =	sshra.s32 s25, $0x2;
	v4 =	vld [tilespmem:s11+$0xA460]  }
0xf4: {  	s25 =	sadd.s32 $0x200, s25;
	v1 =	vld [tilespmem:s9+$0x2470];
	[tilespmem:s11+$0x12430] =	vst v6;
	v5 =	vadd.f32 v7, v5  }
0xf5: {  	v6 =	vld [tilespmem:s9+$0xA470]  }
0xf6: {  	v7 =	vld [tilespmem:s9+$0x2400];
	[tilespmem:s11+$0x12440] =	vst v5;
	v2 =	vadd.f32 v3, v2  }
0xf7: {  	v3 =	vld [tilespmem:s9+$0xA400]  }
0xf8: {  	v5 =	vld [tilespmem:s9+$0x2410];
	[tilespmem:s11+$0x12450] =	vst v2;
	v0 =	vadd.f32 v4, v0  }
0xf9: {  	v2 =	vld [tilespmem:s9+$0xA410]  }
0xfa: {  	v4 =	vld [tilespmem:s9+$0x2420];
	[tilespmem:s11+$0x12460] =	vst v0  }
0xfb: {  	v0 =	vadd.f32 v6, v1;
	v1 =	vld [tilespmem:s9+$0xA420]  }
0xfc: {  	v6 =	vld [tilespmem:s9+$0x2430]  }
0xfd: {  	v3 =	vadd.f32 v3, v7;
	[tilespmem:s9+$0x12470] =	vst v0;
	v0 =	vld [tilespmem:s9+$0xA430]  }
0xfe: {  	v7 =	vld [tilespmem:s9+$0xA460]  }
0xff: {  	[tilespmem:s9+$0x12400] =	vst v3;
	v2 =	vadd.f32 v2, v5;
	v3 =	vld [tilespmem:s9+$0x2440]  }
0x100: {  	v5 =	vld [tilespmem:s9+$0xA440]  }
0x101: {  	[tilespmem:s9+$0x12410] =	vst v2;
	v1 =	vadd.f32 v1, v4;
	v2 =	vld [tilespmem:s9+$0x2450]  }
0x102: {  	v4 =	vld [tilespmem:s9+$0xA450]  }
0x103: {  	[tilespmem:s9+$0x12420] =	vst v1;
	v1 =	vld [tilespmem:s9+$0x2460];
	_ =	sdelay $0x1  }
0x104: {  	v0 =	vadd.f32 v0, v6  }
0x105: {  	v3 =	vadd.f32 v5, v3  }
0x106: {  	s11 =	sshll.u32 s14, $0x8;
	[tilespmem:s9+$0x12430] =	vst v0;
	v0 =	vadd.f32 v4, v2  }
0x107: {  	s12 =	sadd.s32 s11, s21;
	[tilespmem:s9+$0x12440] =	vst v3;
	v1 =	vadd.f32 v7, v1  }
0x108: {  	s12 =	sshll.u32 s12, $0x4;
	[tilespmem:s9+$0x12450] =	vst v0  }
0x109: {  	s25 =	simm.s32 $0x12400;
	s13 =	sadd.s32 s2, s12;
	[tilespmem:s9+$0x12460] =	vst v1;
	s9 =	simm.s32 @p1 $0xB  }
0x10a: {  	[hbm4b:s13+s5] =	stream.linear.scatter [tilespmem:s25], [sflag:$0x12], $0x2000, $0x38;
	[tilespmem:$0x1A340] =	vst v63  }
0x10b: {  	_ =	swait.ge @p1 [sflag:s9], $0x2000  }
0x10c: {  	[sflag:s9] =	ssyncset.done @p1 $0x0  }
0x10d: {  	[sflag:s9] =	ssyncadd.s32 @p1 $0xFFFFE000;
	s9 =	simm.s32 @p1 $0xF  }
0x10e: {  	_ =	swait.ge @p1 [sflag:s9], $0x2000  }
0x10f: {  	[sflag:s9] =	ssyncset.done @p1 $0x0  }
0x110: {  	[sflag:s9] =	ssyncadd.s32 @p1 $0xFFFFE000;
	s9 =	simm.s32 @!p1 $0x2  }
0x111: {  	_ =	swait.ge @!p1 [sflag:s9], $0x40  }
0x112: {  	[sflag:s9] =	ssyncset.done @!p1 $0x0  }
0x113: {  	[sflag:s9] =	ssyncadd.s32 @!p1 $0xFFFFFFC0;
	s9 =	simm.s32 @!p1 $0x6  }
0x114: {  	_ =	swait.ge @!p1 [sflag:s9], $0x40  }
0x115: {  	s12 =	simm.s32 @!p1 $0x80;
	[sflag:s9] =	ssyncset.done @!p1 $0x0  }
0x116: {  	s13 =	simm.s32 @!p1 $0x2400;
	[sflag:s9] =	ssyncadd.s32 @!p1 $0xFFFFFFC0;
	s9 =	simm.s32 @!p1 $0x40  }
0x117: {  	[tilespmem:s13], [sflag:$0xA] =	stream.indirect.gather @!p1 [hbm4b:s1+s9], $0x80, s12, s9, $0xb8;
	[tilespmem:$0x1A340] =	vst v63  }
0x118: {  	s12 =	simm.s32 @!p1 $0x280;
	s13 =	simm.s32 @!p1 $0xA400  }
0x119: {  	[tilespmem:s13], [sflag:$0xE] =	stream.indirect.gather @!p1 [spmem:s3], $0x80, s12, s9, $0xb8;
	[tilespmem:$0x1A340] =	vst v63  }
0x11a: {  	s9 =	simm.s32 @!p1 $0xB  }
0x11b: {  	_ =	swait.ge @!p1 [sflag:s9], $0x2000  }
0x11c: {  	[sflag:s9] =	ssyncset.done @!p1 $0x0  }
0x11d: {  	[sflag:s9] =	ssyncadd.s32 @!p1 $0xFFFFE000;
	s9 =	simm.s32 @!p1 $0xF  }
0x11e: {  	_ =	swait.ge @!p1 [sflag:s9], $0x2000  }
0x11f: {  	s12 =	sadd.s32 @!p1 s11, s22;
	[sflag:s9] =	ssyncset.done @!p1 $0x0  }
0x120: {  	[sflag:s9] =	ssyncadd.s32 @!p1 $0xFFFFE000;
	s9 =	sshrl.u32 @!p1 s12, $0x3  }
0x121: {  	s25 =	simm.s32 @!p1 $0x100;
	s13 =	simm.s32 @!p1 $0x0;
	s12 =	sadd.s32 @!p1 s6, s9  }
0x122: {  	[tilespmem:s25], [sflag:$0x3] =	stream.linear.gather @!p1 [hbm4b:s12+s13], $0x40, $0x38;
	[tilespmem:$0x1A340] =	vst v63  }
0x123: {  	s9 =	sadd.s32 @!p1 s7, s9;
	s12 =	simm.s32 @!p1 $0x300  }
0x124: {  	[tilespmem:s12], [sflag:$0x7] =	stream.linear.gather @!p1 [hbm4b:s9+s13], $0x40, $0x38;
	[tilespmem:$0x1A340] =	vst v63  }
0x125: {  	s9 =	simm.s32 @!p2 $0x13  }
0x126: {  	_ =	swait.ge @!p2 [sflag:s9], $0x2000  }
0x127: {  	[sflag:s9] =	ssyncset.done @!p2 $0x0  }
0x128: {  	[sflag:s9] =	ssyncadd.s32 @!p2 $0xFFFFE000;
	s9 =	simm.s32 $0x0  }
0x129: {  	v0 =	vld [tilespmem:s9+$0x4470]  }
0x12a: {  	v1 =	vld [tilespmem:s9+$0xC470]  }
0x12b: {  	v2 =	vld [tilespmem:s9+$0x4400]  }
0x12c: {  	v3 =	vld [tilespmem:s9+$0xC400]  }
0x12d: {  	v4 =	vld [tilespmem:s9+$0x4410]  }
0x12e: {  	v5 =	vld [tilespmem:s9+$0xC410]  }
0x12f: {  	v6 =	vld [tilespmem:s9+$0x4420]  }
0x130: {  	v7 =	vld [tilespmem:s9+$0x4430]  }
0x131: {  	v0 =	vadd.f32 v1, v0;
	v1 =	vld [tilespmem:s9+$0xC420]  }
0x132: {  	v8 =	vld [tilespmem:s9+$0xC430]  }
0x133: {  	v9 =	vld [tilespmem:s9+$0xC440];
	v2 =	vadd.f32 v3, v2  }
0x134: {  	[tilespmem:s9+$0x14470] =	vst v0;
	v0 =	vadd.f32 v5, v4;
	v5 =	vld [tilespmem:s9+$0x4440]  }
0x135: {  	v3 =	vld [tilespmem:s9+$0xC450];
	[tilespmem:s9+$0x14400] =	vst v2  }
0x136: {  	v2 =	vld [tilespmem:s9+$0x4450];
	[tilespmem:s9+$0x14410] =	vst v0;
	v0 =	vadd.f32 v1, v6  }
0x137: {  	v4 =	vld [tilespmem:s9+$0xC460];
	v6 =	vadd.f32 v8, v7  }
0x138: {  	s25 =	simm.s32 $0x80;
	[tilespmem:s9+$0x14420] =	vst v0;
	v0 =	vld [tilespmem:s9+$0x4460]  }
0x139: {  	s12 =	simm.s32 $0x400;
	v5 =	vadd.f32 v9, v5;
	v1 =	vld [tilespmem:s25+$0x4470];
	[tilespmem:s9+$0x14430] =	vst v6  }
.LBB2_10:
0x13a: {  	p3 =	sne.s32 s12, $0x7E00;
	v6 =	vld [tilespmem:s25+$0xC470]  }
0x13b: {  	v7 =	vld [tilespmem:s25+$0x4400];
	[tilespmem:s9+$0x14440] =	vst v5;
	v2 =	vadd.f32 v3, v2  }
0x13c: {  	v3 =	vld [tilespmem:s25+$0xC400]  }
0x13d: {  	v5 =	vld [tilespmem:s25+$0x4410];
	[tilespmem:s9+$0x14450] =	vst v2;
	v0 =	vadd.f32 v4, v0  }
0x13e: {  	v2 =	vld [tilespmem:s25+$0xC410]  }
0x13f: {  	v4 =	vld [tilespmem:s25+$0x4420];
	v1 =	vadd.f32 v6, v1;
	[tilespmem:s9+$0x14460] =	vst v0;
	s9 =	smov.u32 s25  }
0x140: {  	v0 =	vld [tilespmem:s9+$0xC420]  }
0x141: {  	v3 =	vadd.f32 v3, v7;
	v6 =	vld [tilespmem:s9+$0x4430];
	[tilespmem:s9+$0x14470] =	vst v1  }
0x142: {  	v1 =	vld [tilespmem:s9+$0xC430]  }
0x143: {  	[tilespmem:s9+$0x14400] =	vst v3;
	v2 =	vadd.f32 v2, v5;
	v5 =	vld [tilespmem:s9+$0x4440]  }
0x144: {  	v7 =	vld [tilespmem:s9+$0xC440]  }
.Ltmp6:
0x145: {  	[tilespmem:s9+$0x14410] =	vst v2;
	v0 =	vadd.f32 v0, v4;
	v2 =	vld [tilespmem:s9+$0x4450];
	(pc) =	sbr.rel @p3 .LBB2_10-.Ltmp6, $4  }
0x146: {  	v3 =	vld [tilespmem:s9+$0xC450]  }
0x147: {  	[tilespmem:s9+$0x14420] =	vst v0;
	v6 =	vadd.f32 v1, v6;
	v0 =	vld [tilespmem:s9+$0x4460]  }
0x148: {  	s25 =	sshra.s32 s12, $0x2;
	v4 =	vld [tilespmem:s9+$0xC460]  }
0x149: {  	s12 =	sadd.s32 $0x200, s12;
	v1 =	vld [tilespmem:s25+$0x4470];
	[tilespmem:s9+$0x14430] =	vst v6;
	v5 =	vadd.f32 v7, v5  }
0x14a: {  	v6 =	vld [tilespmem:s25+$0xC470]  }
0x14b: {  	v7 =	vld [tilespmem:s25+$0x4400];
	[tilespmem:s9+$0x14440] =	vst v5;
	v2 =	vadd.f32 v3, v2  }
0x14c: {  	v3 =	vld [tilespmem:s25+$0xC400]  }
0x14d: {  	v5 =	vld [tilespmem:s25+$0x4410];
	[tilespmem:s9+$0x14450] =	vst v2;
	v0 =	vadd.f32 v4, v0  }
0x14e: {  	v2 =	vld [tilespmem:s25+$0xC410]  }
0x14f: {  	v4 =	vld [tilespmem:s25+$0x4420];
	[tilespmem:s9+$0x14460] =	vst v0  }
0x150: {  	v0 =	vadd.f32 v6, v1;
	v1 =	vld [tilespmem:s25+$0xC420]  }
0x151: {  	v6 =	vld [tilespmem:s25+$0x4430]  }
0x152: {  	v3 =	vadd.f32 v3, v7;
	[tilespmem:s25+$0x14470] =	vst v0;
	v0 =	vld [tilespmem:s25+$0xC430]  }
0x153: {  	v7 =	vld [tilespmem:s25+$0xC460]  }
0x154: {  	[tilespmem:s25+$0x14400] =	vst v3;
	v2 =	vadd.f32 v2, v5;
	v3 =	vld [tilespmem:s25+$0x4440]  }
0x155: {  	v5 =	vld [tilespmem:s25+$0xC440]  }
0x156: {  	[tilespmem:s25+$0x14410] =	vst v2;
	v1 =	vadd.f32 v1, v4;
	v2 =	vld [tilespmem:s25+$0x4450]  }
0x157: {  	v4 =	vld [tilespmem:s25+$0xC450]  }
0x158: {  	[tilespmem:s25+$0x14420] =	vst v1;
	v1 =	vld [tilespmem:s25+$0x4460];
	_ =	sdelay $0x1  }
0x159: {  	v0 =	vadd.f32 v0, v6  }
0x15a: {  	v3 =	vadd.f32 v5, v3  }
0x15b: {  	[tilespmem:s25+$0x14430] =	vst v0;
	v0 =	vadd.f32 v4, v2  }
0x15c: {  	s15 =	sadd.s32 s15, s29;
	[tilespmem:s25+$0x14440] =	vst v3;
	v1 =	vadd.f32 v7, v1  }
0x15d: {  	s9 =	sshrl.u32 s15, $0x3;
	[tilespmem:s25+$0x14450] =	vst v0  }
0x15e: {  	s9 =	sadd.s32 s2, s9;
	[tilespmem:s25+$0x14460] =	vst v1  }
0x15f: {  	[hbm4b:s9+s5] =	stream.linear.scatter [tilespmem:s31], [sflag:$0x13], $0x2000, $0x38;
	[tilespmem:$0x1A340] =	vst v63  }
0x160: {  	s9 =	simm.s32 @p1 $0xC  }
0x161: {  	_ =	swait.ge @p1 [sflag:s9], $0x2000  }
0x162: {  	[sflag:s9] =	ssyncset.done @p1 $0x0  }
0x163: {  	[sflag:s9] =	ssyncadd.s32 @p1 $0xFFFFE000;
	s9 =	simm.s32 @p1 $0x10  }
0x164: {  	_ =	swait.ge @p1 [sflag:s9], $0x2000  }
0x165: {  	[sflag:s9] =	ssyncset.done @p1 $0x0  }
0x166: {  	[sflag:s9] =	ssyncadd.s32 @p1 $0xFFFFE000;
	s9 =	simm.s32 @!p1 $0x3  }
0x167: {  	_ =	swait.ge @!p1 [sflag:s9], $0x40  }
0x168: {  	[sflag:s9] =	ssyncset.done @!p1 $0x0  }
0x169: {  	[sflag:s9] =	ssyncadd.s32 @!p1 $0xFFFFFFC0;
	s9 =	simm.s32 @!p1 $0x7  }
0x16a: {  	_ =	swait.ge @!p1 [sflag:s9], $0x40  }
0x16b: {  	s12 =	simm.s32 @!p1 $0x100;
	[sflag:s9] =	ssyncset.done @!p1 $0x0  }
0x16c: {  	s13 =	simm.s32 @!p1 $0x4400;
	[sflag:s9] =	ssyncadd.s32 @!p1 $0xFFFFFFC0;
	s9 =	simm.s32 @!p1 $0x40  }
0x16d: {  	[tilespmem:s13], [sflag:$0xB] =	stream.indirect.gather @!p1 [hbm4b:s1+s9], $0x80, s12, s9, $0xb8;
	[tilespmem:$0x1A340] =	vst v63  }
0x16e: {  	s12 =	simm.s32 @!p1 $0x300;
	s13 =	simm.s32 @!p1 $0xC400  }
0x16f: {  	[tilespmem:s13], [sflag:$0xF] =	stream.indirect.gather @!p1 [spmem:s3], $0x80, s12, s9, $0xb8;
	[tilespmem:$0x1A340] =	vst v63  }
0x170: {  	s9 =	simm.s32 @!p1 $0xC  }
0x171: {  	_ =	swait.ge @!p1 [sflag:s9], $0x2000  }
0x172: {  	[sflag:s9] =	ssyncset.done @!p1 $0x0  }
0x173: {  	[sflag:s9] =	ssyncadd.s32 @!p1 $0xFFFFE000;
	s9 =	simm.s32 @!p1 $0x10  }
0x174: {  	_ =	swait.ge @!p1 [sflag:s9], $0x2000  }
0x175: {  	s12 =	sadd.s32 @!p1 s11, s23;
	[sflag:s9] =	ssyncset.done @!p1 $0x0  }
0x176: {  	[sflag:s9] =	ssyncadd.s32 @!p1 $0xFFFFE000;
	s9 =	sshrl.u32 @!p1 s12, $0x3  }
0x177: {  	s15 =	simm.s32 @!p1 $0x180;
	s13 =	simm.s32 @!p1 $0x0;
	s12 =	sadd.s32 @!p1 s6, s9  }
0x178: {  	[tilespmem:s15], [sflag:$0x4] =	stream.linear.gather @!p1 [hbm4b:s12+s13], $0x40, $0x38;
	[tilespmem:$0x1A340] =	vst v63  }
0x179: {  	s9 =	sadd.s32 @!p1 s7, s9;
	s12 =	simm.s32 @!p1 $0x380  }
0x17a: {  	[tilespmem:s12], [sflag:$0x8] =	stream.linear.gather @!p1 [hbm4b:s9+s13], $0x40, $0x38;
	[tilespmem:$0x1A340] =	vst v63  }
0x17b: {  	s9 =	simm.s32 @!p2 $0x14  }
0x17c: {  	_ =	swait.ge @!p2 [sflag:s9], $0x2000  }
0x17d: {  	[sflag:s9] =	ssyncset.done @!p2 $0x0  }
0x17e: {  	[sflag:s9] =	ssyncadd.s32 @!p2 $0xFFFFE000;
	s9 =	simm.s32 $0x0  }
0x17f: {  	v0 =	vld [tilespmem:s9+$0x6470]  }
0x180: {  	v1 =	vld [tilespmem:s9+$0xE470]  }
0x181: {  	v2 =	vld [tilespmem:s9+$0x6400]  }
0x182: {  	v3 =	vld [tilespmem:s9+$0xE400]  }
0x183: {  	v4 =	vld [tilespmem:s9+$0x6410]  }
0x184: {  	v5 =	vld [tilespmem:s9+$0xE410]  }
0x185: {  	v6 =	vld [tilespmem:s9+$0x6420]  }
0x186: {  	v7 =	vld [tilespmem:s9+$0x6430]  }
0x187: {  	v0 =	vadd.f32 v1, v0;
	v1 =	vld [tilespmem:s9+$0xE420]  }
0x188: {  	v8 =	vld [tilespmem:s9+$0xE430]  }
0x189: {  	v9 =	vld [tilespmem:s9+$0xE440];
	v2 =	vadd.f32 v3, v2  }
0x18a: {  	[tilespmem:s9+$0x16470] =	vst v0;
	v0 =	vadd.f32 v5, v4;
	v5 =	vld [tilespmem:s9+$0x6440]  }
0x18b: {  	v3 =	vld [tilespmem:s9+$0xE450];
	[tilespmem:s9+$0x16400] =	vst v2  }
0x18c: {  	v2 =	vld [tilespmem:s9+$0x6450];
	[tilespmem:s9+$0x16410] =	vst v0;
	v0 =	vadd.f32 v1, v6  }
0x18d: {  	v4 =	vld [tilespmem:s9+$0xE460];
	v6 =	vadd.f32 v8, v7  }
0x18e: {  	s15 =	simm.s32 $0x80;
	[tilespmem:s9+$0x16420] =	vst v0;
	v0 =	vld [tilespmem:s9+$0x6460]  }
0x18f: {  	s12 =	simm.s32 $0x400;
	v5 =	vadd.f32 v9, v5;
	v1 =	vld [tilespmem:s15+$0x6470];
	[tilespmem:s9+$0x16430] =	vst v6  }
.LBB2_12:
0x190: {  	p2 =	sne.s32 s12, $0x7E00;
	v6 =	vld [tilespmem:s15+$0xE470]  }
0x191: {  	v7 =	vld [tilespmem:s15+$0x6400];
	[tilespmem:s9+$0x16440] =	vst v5;
	v2 =	vadd.f32 v3, v2  }
0x192: {  	v3 =	vld [tilespmem:s15+$0xE400]  }
0x193: {  	v5 =	vld [tilespmem:s15+$0x6410];
	[tilespmem:s9+$0x16450] =	vst v2;
	v0 =	vadd.f32 v4, v0  }
0x194: {  	v2 =	vld [tilespmem:s15+$0xE410]  }
0x195: {  	v4 =	vld [tilespmem:s15+$0x6420];
	v1 =	vadd.f32 v6, v1;
	[tilespmem:s9+$0x16460] =	vst v0;
	s9 =	smov.u32 s15  }
0x196: {  	v0 =	vld [tilespmem:s9+$0xE420]  }
0x197: {  	v3 =	vadd.f32 v3, v7;
	v6 =	vld [tilespmem:s9+$0x6430];
	[tilespmem:s9+$0x16470] =	vst v1  }
0x198: {  	v1 =	vld [tilespmem:s9+$0xE430]  }
0x199: {  	[tilespmem:s9+$0x16400] =	vst v3;
	v2 =	vadd.f32 v2, v5;
	v5 =	vld [tilespmem:s9+$0x6440]  }
0x19a: {  	v7 =	vld [tilespmem:s9+$0xE440]  }
.Ltmp7:
0x19b: {  	[tilespmem:s9+$0x16410] =	vst v2;
	v0 =	vadd.f32 v0, v4;
	v2 =	vld [tilespmem:s9+$0x6450];
	(pc) =	sbr.rel @p2 .LBB2_12-.Ltmp7, $4  }
0x19c: {  	v3 =	vld [tilespmem:s9+$0xE450]  }
0x19d: {  	[tilespmem:s9+$0x16420] =	vst v0;
	v6 =	vadd.f32 v1, v6;
	v0 =	vld [tilespmem:s9+$0x6460]  }
0x19e: {  	s15 =	sshra.s32 s12, $0x2;
	v4 =	vld [tilespmem:s9+$0xE460]  }
0x19f: {  	s12 =	sadd.s32 $0x200, s12;
	v1 =	vld [tilespmem:s15+$0x6470];
	[tilespmem:s9+$0x16430] =	vst v6;
	v5 =	vadd.f32 v7, v5  }
0x1a0: {  	v6 =	vld [tilespmem:s15+$0xE470]  }
0x1a1: {  	v7 =	vld [tilespmem:s15+$0x6400];
	[tilespmem:s9+$0x16440] =	vst v5;
	v2 =	vadd.f32 v3, v2  }
0x1a2: {  	v51 =	vld [tilespmem:s15+$0xE400]  }
0x1a3: {  	v5 =	vld [tilespmem:s15+$0x6410];
	[tilespmem:s9+$0x16450] =	vst v2;
	v0 =	vadd.f32 v4, v0  }
0x1a4: {  	v2 =	vld [tilespmem:s15+$0xE410]  }
0x1a5: {  	v52 =	vld [tilespmem:s15+$0x6420];
	[tilespmem:s9+$0x16460] =	vst v0  }
0x1a6: {  	v54 =	vld [tilespmem:s15+$0xE420]  }
0x1a7: {  	v55 =	vld [tilespmem:s15+$0x6430]  }
0x1a8: {  	v56 =	vld [tilespmem:s15+$0xE430]  }
0x1a9: {  	v57 =	vld [tilespmem:s15+$0x6440]  }
0x1aa: {  	v58 =	vld [tilespmem:s15+$0xE440]  }
0x1ab: {  	v59 =	vld [tilespmem:s15+$0x6450]  }
0x1ac: {  	v53 =	vadd.f32 v6, v1;
	v60 =	vld [tilespmem:s15+$0xE450]  }
0x1ad: {  	v61 =	vld [tilespmem:s15+$0x6460];
	v3 =	vadd.f32 v51, v7  }
0x1ae: {  	v62 =	vld [tilespmem:s15+$0xE460];
	[tilespmem:s15+$0x16470] =	vst v53;
	v2 =	vadd.f32 v2, v5  }
0x1af: {  	[tilespmem:s15+$0x16400] =	vst v3;
	v1 =	vadd.f32 v54, v52  }
0x1b0: {  	[tilespmem:s15+$0x16410] =	vst v2;
	v0 =	vadd.f32 v56, v55  }
0x1b1: {  	v3 =	vadd.f32 v58, v57;
	[tilespmem:s15+$0x16420] =	vst v1  }
.Ltmp8:
0x1b2: {  	v63 =	vadd.f32 v60, v59;
	[tilespmem:s15+$0x16430] =	vst v0;
	(pc) =	sbr.rel @p1 .LBB2_15-.Ltmp8, $4  }
0x1b3: {  	s25 =	sadd.s32 s11, s24;
	[tilespmem:s15+$0x16440] =	vst v3;
	v1 =	vadd.f32 v62, v61  }
0x1b4: {  	s9 =	sshll.u32 s25, $0x4;
	[tilespmem:s15+$0x16450] =	vst v63  }
0x1b5: {  	s9 =	sadd.s32 s2, s9;
	[tilespmem:s15+$0x16460] =	vst v1  }
0x1b6: {  	[hbm4b:s9+s5] =	stream.linear.scatter [tilespmem:s0], [sflag:$0x14], $0x2000, $0x38;
	[tilespmem:$0x1A340] =	vst v63  }
0x1b7: {  	_ =	swait.ge [sflag:s30], $0x40  }
0x1b8: {  	[sflag:s30] =	ssyncset.done $0x0  }
0x1b9: {  	[sflag:s30] =	ssyncadd.s32 $0xFFFFFFC0  }
0x1ba: {  	_ =	swait.ge [sflag:s8], $0x40  }
.Ltmp9:
0x1bb: {  	[sflag:s8] =	ssyncset.done $0x0;
	(pc) =	sbr.rel .LBB2_2-.Ltmp9, $4  }
0x1bc: {  	s9 =	simm.s32 $0x6400;
	[sflag:s8] =	ssyncadd.s32 $0xFFFFFFC0  }
0x1bd: {  	[tilespmem:s9], [sflag:$0xC] =	stream.indirect.gather [hbm4b:s1+s4], $0x80, s16, s4, $0xb8;
	[tilespmem:$0x1A340] =	vst v63  }
0x1be: {  	s25 =	simm.s32 $0xE400;
	s14 =	sadd.s32 $0x1, s14  }
0x1bf: {  	[tilespmem:s25], [sflag:$0x10] =	stream.indirect.gather [spmem:s3], $0x80, s17, s4, $0xb8;
	[tilespmem:$0x1A340] =	vst v63  }
.LBB2_16:
0x1c0: {  	_ =	sfence.sel $0x180000  }
0x1c1: {  	[bflag:$0x0] =	sbarrier.arrive $0xFFFF  }
0x1c2: {  	_ =	strace $0x90000047  }
0x1c3: {  	s0 =	stileid.u32;
	[bflag:$0x2] =	sbarrier.arrive $0xFFFF  }
0x1c4: {  	p0 =	sne.s32 s0, $0x0;
	s0 =	rddreg [dreg:$0x5]  }
0x1c5: {  	s0 =	sadd.s32 @!p0 $0x100000, s0  }
0x1c6: {  	[sflag:s0] =	ssyncadd.tile.s32 @!p0 $0x1;
	_ =	shalt  }
.Lfunc_end2:
_tile_overlayer_lowered:
.L_overlay_start_2:
0x1c7: {  	(tag) =	ssettag $0x2  }
0x1c8: {  	s0 =	rddreg [dreg:$0x0];
	s2 =	stileid.u32  }
0x1c9: {  	s1 =	rddreg [dreg:$0x1];
	p0 =	sne.s32 s2, $0x0  }
0x1ca: {  	s3 =	rddreg [dreg:$0x2];
	[bflag:$0x3] =	sbarrier.arrive $0xFFFF;
	s2 =	simm.s32 @!p0 $0x1C15  }
0x1cb: {  	[timem:s3], [sflag:s2] =	dma.local @!p0 [hbm:s0], s1  }
0x1cc: {  	s0 =	simm.s32 @!p0 $0x15  }
0x1cd: {  	_ =	swait.ge @!p0 [sflag:s0], s1  }
0x1ce: {  	s1 =	ssub.s32 @!p0 $0x0, s1;
	[sflag:s0] =	ssyncset.done @!p0 $0x0  }
0x1cf: {  	[sflag:s0] =	ssyncadd.s32 @!p0 s1  }
0x1d0: {  	[bflag:$0x3] =	sbarrier.arrive $0xFFFF  }
0x1d1: {  	_ =	shalt  }

</sc_bundles>
